<compile_context>
chip_gen: v7x
topology: tpu7x:2x2x1
jax: 0.10.2.dev20260603
libtpu: 0.0.44.dev20260713+nightly
codegen_flags: <defaults>
</compile_context>

<pallas_src>
import functools

import jax
import jax.numpy as jnp
from jax import lax
from jax.experimental import pallas as pl
from jax.experimental.pallas import tpu as pltpu
from jax.experimental.pallas import tpu_sc as plsc

V = 1000000
D = 64
DW = 128
B = 16384 * 50
NC, NS = 2, 16
NW = NC * NS
BPW = B // NW
CH = 128
NCHUNK = BPW // CH
NB = 5
NMAIN = NCHUNK - NB


@functools.lru_cache(maxsize=1)
def _build():
    mesh = plsc.VectorSubcoreMesh(core_axis_name="c", subcore_axis_name="s")

    @functools.partial(
        pl.kernel,
        mesh=mesh,
        out_type=jax.ShapeDtypeStruct((B, DW), jnp.float32),
        scratch_types=(
            [pltpu.VMEM((BPW,), jnp.int32)]
            + [pltpu.VMEM((CH, DW), jnp.float32) for _ in range(NB)]
            + [pltpu.SemaphoreType.DMA for _ in range(2 * NB)]
        ),
    )
    def gather(wide_hbm, idx_hbm, out_hbm, idx_v, *bufs_and_sems):
        rows = bufs_and_sems[:NB]
        gsem = bufs_and_sems[NB:2 * NB]
        osem = bufs_and_sems[2 * NB:]

        wid = lax.axis_index("s") * NC + lax.axis_index("c")
        wbase = wid * BPW
        pltpu.sync_copy(idx_hbm.at[pl.ds(wbase, BPW)], idx_v)

        def start_gather(g, b):
            pltpu.async_copy(
                wide_hbm.at[idx_v.at[pl.ds(g * CH, CH)]], rows[b], gsem[b])

        def wait_gather(b):
            pltpu.make_async_copy(
                wide_hbm.at[pl.ds(0, CH)], rows[b], gsem[b]).wait()

        def start_out(g, b):
            pltpu.async_copy(
                rows[b], out_hbm.at[pl.ds(wbase + g * CH, CH)], osem[b])

        def wait_out(g, b):
            pltpu.make_async_copy(
                rows[b], out_hbm.at[pl.ds(wbase + g * CH, CH)], osem[b]).wait()

        for b in range(NB):
            start_gather(b, b)

        def main(i, carry):
            g0 = i * NB
            for b in range(NB):
                g = g0 + b
                wait_gather(b)
                start_out(g, b)
                wait_out(g, b)
                start_gather(g + NB, b)
            return carry

        lax.fori_loop(0, NMAIN // NB, main, 0)

        for b in range(NB):
            g = NMAIN + b
            wait_gather(b)
            pltpu.sync_copy(rows[b], out_hbm.at[pl.ds(wbase + g * CH, CH)])

    return gather


def kernel(x, mat):
    idx = x.reshape(-1).astype(jnp.int32)
    wide = jnp.pad(mat, ((0, 0), (0, DW - D)))
    out_w = _build()(wide, idx)
    return out_w[:, :D]

# --- scband reference (transcript-rebuilt; emitter-appended) ---
"""Pipeline reference for scband-user-encoder-33818572488871 (READ-ONLY COPY).

The authoritative reference and input builder live on the scoring server;
editing this copy changes nothing except your own understanding.
"""

import jax, jax.numpy as jnp
import numpy as np

IN_SIZE = 1000000
OUT_SIZE = 64

def setup_inputs(seed: int = 0) -> dict:
    key = jax.random.key(seed)
    k_idx, k_mat = jax.random.split(key)
    x = jax.random.randint(k_idx, (16384, 50), 0, IN_SIZE, dtype=jnp.int64 if jax.config.read('jax_enable_x64') else jnp.int32)
    k = 1.0 / (IN_SIZE ** 0.5)
    mat = jax.random.uniform(k_mat, (IN_SIZE, OUT_SIZE), dtype=jnp.float32, minval=-k, maxval=k)
    return {"x": x, "mat": mat}

def reference(x, mat):
    # UserEncoder.forward: return self.mat[x.flatten()]
    idx = x.reshape(-1)
    return jnp.take(mat, idx, axis=0)

if __name__ == "__main__":
    import jax
    _d = setup_inputs()
    print(jax.jit(kernel)(*tuple(_d.values())))

</pallas_src>

<mosaic_0001>
#map = affine_map<(d0, d1) -> (0, 0)>
#map1 = affine_map<(d0, d1) -> (0)>
module attributes {stable_mosaic.version = 14 : i64} {
  func.func @gather(%arg0: i32, %arg1: i32, %arg2: memref<1000000x128xf32, #tpu.memory_space<hbm>>, %arg3: memref<819200xi32, #tpu.memory_space<hbm>>, %arg4: memref<819200x128xf32, #tpu.memory_space<hbm>>, %arg5: memref<25600xi32, #tpu.memory_space<vmem>>, %arg6: memref<128x128xf32, #tpu.memory_space<vmem>>, %arg7: memref<128x128xf32, #tpu.memory_space<vmem>>, %arg8: memref<128x128xf32, #tpu.memory_space<vmem>>, %arg9: memref<128x128xf32, #tpu.memory_space<vmem>>, %arg10: memref<128x128xf32, #tpu.memory_space<vmem>>, %arg11: memref<!tpu.dma_semaphore, #tpu.memory_space<semaphore_mem>>, %arg12: memref<!tpu.dma_semaphore, #tpu.memory_space<semaphore_mem>>, %arg13: memref<!tpu.dma_semaphore, #tpu.memory_space<semaphore_mem>>, %arg14: memref<!tpu.dma_semaphore, #tpu.memory_space<semaphore_mem>>, %arg15: memref<!tpu.dma_semaphore, #tpu.memory_space<semaphore_mem>>, %arg16: memref<!tpu.dma_semaphore, #tpu.memory_space<semaphore_mem>>, %arg17: memref<!tpu.dma_semaphore, #tpu.memory_space<semaphore_mem>>, %arg18: memref<!tpu.dma_semaphore, #tpu.memory_space<semaphore_mem>>, %arg19: memref<!tpu.dma_semaphore, #tpu.memory_space<semaphore_mem>>, %arg20: memref<!tpu.dma_semaphore, #tpu.memory_space<semaphore_mem>>) attributes {dimension_semantics = [#tpu.dimension_semantics<core_parallel>, #tpu.dimension_semantics<subcore_parallel>], iteration_bounds = array<i64: 2, 16>, scalar_prefetch = 0 : i64, scratch_operands = 16 : i64, tpu.core_type = #tpu.core_type<sc_vector_subcore>, window_params = [{transform_indices = #map}, {transform_indices = #map1}, {transform_indices = #map}]} {
    %mul3A = arith.constant 2 : i32
    %mul3A_0 = arith.muli %arg1, %mul3A : i32
    %add3A = arith.addi %mul3A_0, %arg0 : i32
    %mul3A_1 = arith.constant 25600 : i32
    %mul3A_2 = arith.muli %add3A, %mul3A_1 : i32
    "tpu.region"() ({
      %run_scoped3A = tpu.sem_alloc : memref<!tpu.dma_semaphore, #tpu.memory_space<semaphore_mem>>
      %dma_start3A_71 = tpu.memref_slice %arg3[%mul3A_2] : memref<819200xi32, #tpu.memory_space<hbm>> -> memref<25600xi32, #tpu.memory_space<hbm>>
      %dma_start3A_72 = tpu.memref_slice %arg3[%mul3A_2] : memref<819200xi32, #tpu.memory_space<hbm>> -> memref<25600xi32, #tpu.memory_space<hbm>>
      tpu.enqueue_dma source(%dma_start3A_72 : memref<25600xi32, #tpu.memory_space<hbm>>) target(%arg5 : memref<25600xi32, #tpu.memory_space<vmem>>) target_semaphore(%run_scoped3A : memref<!tpu.dma_semaphore, #tpu.memory_space<semaphore_mem>>)
      %dma_wait3A_73 = tpu.memref_slice %arg3[%mul3A_2] : memref<819200xi32, #tpu.memory_space<hbm>> -> memref<25600xi32, #tpu.memory_space<hbm>>
      %dma_wait3A_74 = tpu.memref_slice %arg3[%mul3A_2] : memref<819200xi32, #tpu.memory_space<hbm>> -> memref<25600xi32, #tpu.memory_space<hbm>>
      tpu.wait_dma2 semaphore(%run_scoped3A : memref<!tpu.dma_semaphore, #tpu.memory_space<semaphore_mem>>) src(%dma_wait3A_74 : memref<25600xi32, #tpu.memory_space<hbm>>) dst(%arg5 : memref<25600xi32, #tpu.memory_space<vmem>>)
      tpu.yield
    }) : () -> ()
    %dma_start3A = arith.constant 0 : i32
    %dma_start3A_3 = tpu.memref_slice %arg5[%dma_start3A] : memref<25600xi32, #tpu.memory_space<vmem>> -> memref<128xi32, #tpu.memory_space<vmem>>
    %dma_start3A_4 = arith.constant 0 : i32
    %dma_start3A_5 = arith.constant 0 : i32
    %dma_start3A_6 = tpu.memref_slice %arg2[%dma_start3A_4, %dma_start3A_5] : memref<1000000x128xf32, #tpu.memory_space<hbm>> -> memref<1000000x128xf32, #tpu.memory_space<hbm>>
    tpu.enqueue_indirect_dma source(%dma_start3A_6 : memref<1000000x128xf32, #tpu.memory_space<hbm>>) target(%arg6 : memref<128x128xf32, #tpu.memory_space<vmem>>) offsets(%dma_start3A_3 : memref<128xi32, #tpu.memory_space<vmem>>) semaphore(%arg11 : memref<!tpu.dma_semaphore, #tpu.memory_space<semaphore_mem>>)
    %dma_start3A_7 = arith.constant 128 : i32
    %dma_start3A_8 = tpu.memref_slice %arg5[%dma_start3A_7] : memref<25600xi32, #tpu.memory_space<vmem>> -> memref<128xi32, #tpu.memory_space<vmem>>
    %dma_start3A_9 = arith.constant 0 : i32
    %dma_start3A_10 = arith.constant 0 : i32
    %dma_start3A_11 = tpu.memref_slice %arg2[%dma_start3A_9, %dma_start3A_10] : memref<1000000x128xf32, #tpu.memory_space<hbm>> -> memref<1000000x128xf32, #tpu.memory_space<hbm>>
    tpu.enqueue_indirect_dma source(%dma_start3A_11 : memref<1000000x128xf32, #tpu.memory_space<hbm>>) target(%arg7 : memref<128x128xf32, #tpu.memory_space<vmem>>) offsets(%dma_start3A_8 : memref<128xi32, #tpu.memory_space<vmem>>) semaphore(%arg12 : memref<!tpu.dma_semaphore, #tpu.memory_space<semaphore_mem>>)
    %dma_start3A_12 = arith.constant 256 : i32
    %dma_start3A_13 = tpu.memref_slice %arg5[%dma_start3A_12] : memref<25600xi32, #tpu.memory_space<vmem>> -> memref<128xi32, #tpu.memory_space<vmem>>
    %dma_start3A_14 = arith.constant 0 : i32
    %dma_start3A_15 = arith.constant 0 : i32
    %dma_start3A_16 = tpu.memref_slice %arg2[%dma_start3A_14, %dma_start3A_15] : memref<1000000x128xf32, #tpu.memory_space<hbm>> -> memref<1000000x128xf32, #tpu.memory_space<hbm>>
    tpu.enqueue_indirect_dma source(%dma_start3A_16 : memref<1000000x128xf32, #tpu.memory_space<hbm>>) target(%arg8 : memref<128x128xf32, #tpu.memory_space<vmem>>) offsets(%dma_start3A_13 : memref<128xi32, #tpu.memory_space<vmem>>) semaphore(%arg13 : memref<!tpu.dma_semaphore, #tpu.memory_space<semaphore_mem>>)
    %dma_start3A_17 = arith.constant 384 : i32
    %dma_start3A_18 = tpu.memref_slice %arg5[%dma_start3A_17] : memref<25600xi32, #tpu.memory_space<vmem>> -> memref<128xi32, #tpu.memory_space<vmem>>
    %dma_start3A_19 = arith.constant 0 : i32
    %dma_start3A_20 = arith.constant 0 : i32
    %dma_start3A_21 = tpu.memref_slice %arg2[%dma_start3A_19, %dma_start3A_20] : memref<1000000x128xf32, #tpu.memory_space<hbm>> -> memref<1000000x128xf32, #tpu.memory_space<hbm>>
    tpu.enqueue_indirect_dma source(%dma_start3A_21 : memref<1000000x128xf32, #tpu.memory_space<hbm>>) target(%arg9 : memref<128x128xf32, #tpu.memory_space<vmem>>) offsets(%dma_start3A_18 : memref<128xi32, #tpu.memory_space<vmem>>) semaphore(%arg14 : memref<!tpu.dma_semaphore, #tpu.memory_space<semaphore_mem>>)
    %dma_start3A_22 = arith.constant 512 : i32
    %dma_start3A_23 = tpu.memref_slice %arg5[%dma_start3A_22] : memref<25600xi32, #tpu.memory_space<vmem>> -> memref<128xi32, #tpu.memory_space<vmem>>
    %dma_start3A_24 = arith.constant 0 : i32
    %dma_start3A_25 = arith.constant 0 : i32
    %dma_start3A_26 = tpu.memref_slice %arg2[%dma_start3A_24, %dma_start3A_25] : memref<1000000x128xf32, #tpu.memory_space<hbm>> -> memref<1000000x128xf32, #tpu.memory_space<hbm>>
    tpu.enqueue_indirect_dma source(%dma_start3A_26 : memref<1000000x128xf32, #tpu.memory_space<hbm>>) target(%arg10 : memref<128x128xf32, #tpu.memory_space<vmem>>) offsets(%dma_start3A_23 : memref<128xi32, #tpu.memory_space<vmem>>) semaphore(%arg15 : memref<!tpu.dma_semaphore, #tpu.memory_space<semaphore_mem>>)
    %scan3A = arith.constant 0 : i32
    %scan3A_27 = arith.constant 0 : i32
    %scan3A_28 = arith.constant 39 : i32
    %scan3A_29 = arith.addi %scan3A_27, %scan3A_28 : i32
    %scan3A_30 = arith.constant 1 : i32
    scf.for %scan3A_71 = %scan3A_27 to %scan3A_29 step %scan3A_30  : i32 {
      %mul3A_72 = arith.constant 5 : i32
      %mul3A_73 = arith.muli %scan3A_71, %mul3A_72 : i32
      %add3A_74 = arith.constant 0 : i32
      %add3A_75 = arith.addi %mul3A_73, %add3A_74 : i32
      %dma_wait3A_76 = arith.constant 0 : i32
      %dma_wait3A_77 = arith.constant 0 : i32
      %dma_wait3A_78 = tpu.memref_slice %arg2[%dma_wait3A_76, %dma_wait3A_77] : memref<1000000x128xf32, #tpu.memory_space<hbm>> -> memref<128x128xf32, #tpu.memory_space<hbm>>
      %dma_wait3A_79 = arith.constant 0 : i32
      %dma_wait3A_80 = arith.constant 0 : i32
      %dma_wait3A_81 = tpu.memref_slice %arg2[%dma_wait3A_79, %dma_wait3A_80] : memref<1000000x128xf32, #tpu.memory_space<hbm>> -> memref<128x128xf32, #tpu.memory_space<hbm>>
      tpu.wait_dma2 semaphore(%arg11 : memref<!tpu.dma_semaphore, #tpu.memory_space<semaphore_mem>>) src(%dma_wait3A_81 : memref<128x128xf32, #tpu.memory_space<hbm>>) dst(%arg6 : memref<128x128xf32, #tpu.memory_space<vmem>>)
      %mul3A_82 = arith.constant 128 : i32
      %mul3A_83 = arith.muli %add3A_75, %mul3A_82 : i32
      %add3A_84 = arith.addi %mul3A_2, %mul3A_83 : i32
      %dma_start3A_85 = arith.constant 0 : i32
      %dma_start3A_86 = tpu.memref_slice %arg4[%add3A_84, %dma_start3A_85] : memref<819200x128xf32, #tpu.memory_space<hbm>> -> memref<128x128xf32, #tpu.memory_space<hbm>>
      %dma_start3A_87 = arith.constant 0 : i32
      %dma_start3A_88 = tpu.memref_slice %arg4[%add3A_84, %dma_start3A_87] : memref<819200x128xf32, #tpu.memory_space<hbm>> -> memref<128x128xf32, #tpu.memory_space<hbm>>
      tpu.enqueue_dma source(%arg6 : memref<128x128xf32, #tpu.memory_space<vmem>>) target(%dma_start3A_88 : memref<128x128xf32, #tpu.memory_space<hbm>>) target_semaphore(%arg16 : memref<!tpu.dma_semaphore, #tpu.memory_space<semaphore_mem>>)
      %mul3A_89 = arith.constant 128 : i32
      %mul3A_90 = arith.muli %add3A_75, %mul3A_89 : i32
      %add3A_91 = arith.addi %mul3A_2, %mul3A_90 : i32
      %dma_wait3A_92 = arith.constant 0 : i32
      %dma_wait3A_93 = tpu.memref_slice %arg4[%add3A_91, %dma_wait3A_92] : memref<819200x128xf32, #tpu.memory_space<hbm>> -> memref<128x128xf32, #tpu.memory_space<hbm>>
      %dma_wait3A_94 = arith.constant 0 : i32
      %dma_wait3A_95 = tpu.memref_slice %arg4[%add3A_91, %dma_wait3A_94] : memref<819200x128xf32, #tpu.memory_space<hbm>> -> memref<128x128xf32, #tpu.memory_space<hbm>>
      tpu.wait_dma2 semaphore(%arg16 : memref<!tpu.dma_semaphore, #tpu.memory_space<semaphore_mem>>) src(%arg6 : memref<128x128xf32, #tpu.memory_space<vmem>>) dst(%dma_wait3A_95 : memref<128x128xf32, #tpu.memory_space<hbm>>)
      %add3A_96 = arith.constant 5 : i32
      %add3A_97 = arith.addi %add3A_75, %add3A_96 : i32
      %mul3A_98 = arith.constant 128 : i32
      %mul3A_99 = arith.muli %add3A_97, %mul3A_98 : i32
      %dma_start3A_100 = tpu.memref_slice %arg5[%mul3A_99] : memref<25600xi32, #tpu.memory_space<vmem>> -> memref<128xi32, #tpu.memory_space<vmem>>
      %dma_start3A_101 = arith.constant 0 : i32
      %dma_start3A_102 = arith.constant 0 : i32
      %dma_start3A_103 = tpu.memref_slice %arg2[%dma_start3A_101, %dma_start3A_102] : memref<1000000x128xf32, #tpu.memory_space<hbm>> -> memref<1000000x128xf32, #tpu.memory_space<hbm>>
      tpu.enqueue_indirect_dma source(%dma_start3A_103 : memref<1000000x128xf32, #tpu.memory_space<hbm>>) target(%arg6 : memref<128x128xf32, #tpu.memory_space<vmem>>) offsets(%dma_start3A_100 : memref<128xi32, #tpu.memory_space<vmem>>) semaphore(%arg11 : memref<!tpu.dma_semaphore, #tpu.memory_space<semaphore_mem>>)
      %add3A_104 = arith.constant 1 : i32
      %add3A_105 = arith.addi %mul3A_73, %add3A_104 : i32
      %dma_wait3A_106 = arith.constant 0 : i32
      %dma_wait3A_107 = arith.constant 0 : i32
      %dma_wait3A_108 = tpu.memref_slice %arg2[%dma_wait3A_106, %dma_wait3A_107] : memref<1000000x128xf32, #tpu.memory_space<hbm>> -> memref<128x128xf32, #tpu.memory_space<hbm>>
      %dma_wait3A_109 = arith.constant 0 : i32
      %dma_wait3A_110 = arith.constant 0 : i32
      %dma_wait3A_111 = tpu.memref_slice %arg2[%dma_wait3A_109, %dma_wait3A_110] : memref<1000000x128xf32, #tpu.memory_space<hbm>> -> memref<128x128xf32, #tpu.memory_space<hbm>>
      tpu.wait_dma2 semaphore(%arg12 : memref<!tpu.dma_semaphore, #tpu.memory_space<semaphore_mem>>) src(%dma_wait3A_111 : memref<128x128xf32, #tpu.memory_space<hbm>>) dst(%arg7 : memref<128x128xf32, #tpu.memory_space<vmem>>)
      %mul3A_112 = arith.constant 128 : i32
      %mul3A_113 = arith.muli %add3A_105, %mul3A_112 : i32
      %add3A_114 = arith.addi %mul3A_2, %mul3A_113 : i32
      %dma_start3A_115 = arith.constant 0 : i32
      %dma_start3A_116 = tpu.memref_slice %arg4[%add3A_114, %dma_start3A_115] : memref<819200x128xf32, #tpu.memory_space<hbm>> -> memref<128x128xf32, #tpu.memory_space<hbm>>
      %dma_start3A_117 = arith.constant 0 : i32
      %dma_start3A_118 = tpu.memref_slice %arg4[%add3A_114, %dma_start3A_117] : memref<819200x128xf32, #tpu.memory_space<hbm>> -> memref<128x128xf32, #tpu.memory_space<hbm>>
      tpu.enqueue_dma source(%arg7 : memref<128x128xf32, #tpu.memory_space<vmem>>) target(%dma_start3A_118 : memref<128x128xf32, #tpu.memory_space<hbm>>) target_semaphore(%arg17 : memref<!tpu.dma_semaphore, #tpu.memory_space<semaphore_mem>>)
      %mul3A_119 = arith.constant 128 : i32
      %mul3A_120 = arith.muli %add3A_105, %mul3A_119 : i32
      %add3A_121 = arith.addi %mul3A_2, %mul3A_120 : i32
      %dma_wait3A_122 = arith.constant 0 : i32
      %dma_wait3A_123 = tpu.memref_slice %arg4[%add3A_121, %dma_wait3A_122] : memref<819200x128xf32, #tpu.memory_space<hbm>> -> memref<128x128xf32, #tpu.memory_space<hbm>>
      %dma_wait3A_124 = arith.constant 0 : i32
      %dma_wait3A_125 = tpu.memref_slice %arg4[%add3A_121, %dma_wait3A_124] : memref<819200x128xf32, #tpu.memory_space<hbm>> -> memref<128x128xf32, #tpu.memory_space<hbm>>
      tpu.wait_dma2 semaphore(%arg17 : memref<!tpu.dma_semaphore, #tpu.memory_space<semaphore_mem>>) src(%arg7 : memref<128x128xf32, #tpu.memory_space<vmem>>) dst(%dma_wait3A_125 : memref<128x128xf32, #tpu.memory_space<hbm>>)
      %add3A_126 = arith.constant 5 : i32
      %add3A_127 = arith.addi %add3A_105, %add3A_126 : i32
      %mul3A_128 = arith.constant 128 : i32
      %mul3A_129 = arith.muli %add3A_127, %mul3A_128 : i32
      %dma_start3A_130 = tpu.memref_slice %arg5[%mul3A_129] : memref<25600xi32, #tpu.memory_space<vmem>> -> memref<128xi32, #tpu.memory_space<vmem>>
      %dma_start3A_131 = arith.constant 0 : i32
      %dma_start3A_132 = arith.constant 0 : i32
      %dma_start3A_133 = tpu.memref_slice %arg2[%dma_start3A_131, %dma_start3A_132] : memref<1000000x128xf32, #tpu.memory_space<hbm>> -> memref<1000000x128xf32, #tpu.memory_space<hbm>>
      tpu.enqueue_indirect_dma source(%dma_start3A_133 : memref<1000000x128xf32, #tpu.memory_space<hbm>>) target(%arg7 : memref<128x128xf32, #tpu.memory_space<vmem>>) offsets(%dma_start3A_130 : memref<128xi32, #tpu.memory_space<vmem>>) semaphore(%arg12 : memref<!tpu.dma_semaphore, #tpu.memory_space<semaphore_mem>>)
      %add3A_134 = arith.constant 2 : i32
      %add3A_135 = arith.addi %mul3A_73, %add3A_134 : i32
      %dma_wait3A_136 = arith.constant 0 : i32
      %dma_wait3A_137 = arith.constant 0 : i32
      %dma_wait3A_138 = tpu.memref_slice %arg2[%dma_wait3A_136, %dma_wait3A_137] : memref<1000000x128xf32, #tpu.memory_space<hbm>> -> memref<128x128xf32, #tpu.memory_space<hbm>>
      %dma_wait3A_139 = arith.constant 0 : i32
      %dma_wait3A_140 = arith.constant 0 : i32
      %dma_wait3A_141 = tpu.memref_slice %arg2[%dma_wait3A_139, %dma_wait3A_140] : memref<1000000x128xf32, #tpu.memory_space<hbm>> -> memref<128x128xf32, #tpu.memory_space<hbm>>
      tpu.wait_dma2 semaphore(%arg13 : memref<!tpu.dma_semaphore, #tpu.memory_space<semaphore_mem>>) src(%dma_wait3A_141 : memref<128x128xf32, #tpu.memory_space<hbm>>) dst(%arg8 : memref<128x128xf32, #tpu.memory_space<vmem>>)
      %mul3A_142 = arith.constant 128 : i32
      %mul3A_143 = arith.muli %add3A_135, %mul3A_142 : i32
      %add3A_144 = arith.addi %mul3A_2, %mul3A_143 : i32
      %dma_start3A_145 = arith.constant 0 : i32
      %dma_start3A_146 = tpu.memref_slice %arg4[%add3A_144, %dma_start3A_145] : memref<819200x128xf32, #tpu.memory_space<hbm>> -> memref<128x128xf32, #tpu.memory_space<hbm>>
      %dma_start3A_147 = arith.constant 0 : i32
      %dma_start3A_148 = tpu.memref_slice %arg4[%add3A_144, %dma_start3A_147] : memref<819200x128xf32, #tpu.memory_space<hbm>> -> memref<128x128xf32, #tpu.memory_space<hbm>>
      tpu.enqueue_dma source(%arg8 : memref<128x128xf32, #tpu.memory_space<vmem>>) target(%dma_start3A_148 : memref<128x128xf32, #tpu.memory_space<hbm>>) target_semaphore(%arg18 : memref<!tpu.dma_semaphore, #tpu.memory_space<semaphore_mem>>)
      %mul3A_149 = arith.constant 128 : i32
      %mul3A_150 = arith.muli %add3A_135, %mul3A_149 : i32
      %add3A_151 = arith.addi %mul3A_2, %mul3A_150 : i32
      %dma_wait3A_152 = arith.constant 0 : i32
      %dma_wait3A_153 = tpu.memref_slice %arg4[%add3A_151, %dma_wait3A_152] : memref<819200x128xf32, #tpu.memory_space<hbm>> -> memref<128x128xf32, #tpu.memory_space<hbm>>
      %dma_wait3A_154 = arith.constant 0 : i32
      %dma_wait3A_155 = tpu.memref_slice %arg4[%add3A_151, %dma_wait3A_154] : memref<819200x128xf32, #tpu.memory_space<hbm>> -> memref<128x128xf32, #tpu.memory_space<hbm>>
      tpu.wait_dma2 semaphore(%arg18 : memref<!tpu.dma_semaphore, #tpu.memory_space<semaphore_mem>>) src(%arg8 : memref<128x128xf32, #tpu.memory_space<vmem>>) dst(%dma_wait3A_155 : memref<128x128xf32, #tpu.memory_space<hbm>>)
      %add3A_156 = arith.constant 5 : i32
      %add3A_157 = arith.addi %add3A_135, %add3A_156 : i32
      %mul3A_158 = arith.constant 128 : i32
      %mul3A_159 = arith.muli %add3A_157, %mul3A_158 : i32
      %dma_start3A_160 = tpu.memref_slice %arg5[%mul3A_159] : memref<25600xi32, #tpu.memory_space<vmem>> -> memref<128xi32, #tpu.memory_space<vmem>>
      %dma_start3A_161 = arith.constant 0 : i32
      %dma_start3A_162 = arith.constant 0 : i32
      %dma_start3A_163 = tpu.memref_slice %arg2[%dma_start3A_161, %dma_start3A_162] : memref<1000000x128xf32, #tpu.memory_space<hbm>> -> memref<1000000x128xf32, #tpu.memory_space<hbm>>
      tpu.enqueue_indirect_dma source(%dma_start3A_163 : memref<1000000x128xf32, #tpu.memory_space<hbm>>) target(%arg8 : memref<128x128xf32, #tpu.memory_space<vmem>>) offsets(%dma_start3A_160 : memref<128xi32, #tpu.memory_space<vmem>>) semaphore(%arg13 : memref<!tpu.dma_semaphore, #tpu.memory_space<semaphore_mem>>)
      %add3A_164 = arith.constant 3 : i32
      %add3A_165 = arith.addi %mul3A_73, %add3A_164 : i32
      %dma_wait3A_166 = arith.constant 0 : i32
      %dma_wait3A_167 = arith.constant 0 : i32
      %dma_wait3A_168 = tpu.memref_slice %arg2[%dma_wait3A_166, %dma_wait3A_167] : memref<1000000x128xf32, #tpu.memory_space<hbm>> -> memref<128x128xf32, #tpu.memory_space<hbm>>
      %dma_wait3A_169 = arith.constant 0 : i32
      %dma_wait3A_170 = arith.constant 0 : i32
      %dma_wait3A_171 = tpu.memref_slice %arg2[%dma_wait3A_169, %dma_wait3A_170] : memref<1000000x128xf32, #tpu.memory_space<hbm>> -> memref<128x128xf32, #tpu.memory_space<hbm>>
      tpu.wait_dma2 semaphore(%arg14 : memref<!tpu.dma_semaphore, #tpu.memory_space<semaphore_mem>>) src(%dma_wait3A_171 : memref<128x128xf32, #tpu.memory_space<hbm>>) dst(%arg9 : memref<128x128xf32, #tpu.memory_space<vmem>>)
      %mul3A_172 = arith.constant 128 : i32
      %mul3A_173 = arith.muli %add3A_165, %mul3A_172 : i32
      %add3A_174 = arith.addi %mul3A_2, %mul3A_173 : i32
      %dma_start3A_175 = arith.constant 0 : i32
      %dma_start3A_176 = tpu.memref_slice %arg4[%add3A_174, %dma_start3A_175] : memref<819200x128xf32, #tpu.memory_space<hbm>> -> memref<128x128xf32, #tpu.memory_space<hbm>>
      %dma_start3A_177 = arith.constant 0 : i32
      %dma_start3A_178 = tpu.memref_slice %arg4[%add3A_174, %dma_start3A_177] : memref<819200x128xf32, #tpu.memory_space<hbm>> -> memref<128x128xf32, #tpu.memory_space<hbm>>
      tpu.enqueue_dma source(%arg9 : memref<128x128xf32, #tpu.memory_space<vmem>>) target(%dma_start3A_178 : memref<128x128xf32, #tpu.memory_space<hbm>>) target_semaphore(%arg19 : memref<!tpu.dma_semaphore, #tpu.memory_space<semaphore_mem>>)
      %mul3A_179 = arith.constant 128 : i32
      %mul3A_180 = arith.muli %add3A_165, %mul3A_179 : i32
      %add3A_181 = arith.addi %mul3A_2, %mul3A_180 : i32
      %dma_wait3A_182 = arith.constant 0 : i32
      %dma_wait3A_183 = tpu.memref_slice %arg4[%add3A_181, %dma_wait3A_182] : memref<819200x128xf32, #tpu.memory_space<hbm>> -> memref<128x128xf32, #tpu.memory_space<hbm>>
      %dma_wait3A_184 = arith.constant 0 : i32
      %dma_wait3A_185 = tpu.memref_slice %arg4[%add3A_181, %dma_wait3A_184] : memref<819200x128xf32, #tpu.memory_space<hbm>> -> memref<128x128xf32, #tpu.memory_space<hbm>>
      tpu.wait_dma2 semaphore(%arg19 : memref<!tpu.dma_semaphore, #tpu.memory_space<semaphore_mem>>) src(%arg9 : memref<128x128xf32, #tpu.memory_space<vmem>>) dst(%dma_wait3A_185 : memref<128x128xf32, #tpu.memory_space<hbm>>)
      %add3A_186 = arith.constant 5 : i32
      %add3A_187 = arith.addi %add3A_165, %add3A_186 : i32
      %mul3A_188 = arith.constant 128 : i32
      %mul3A_189 = arith.muli %add3A_187, %mul3A_188 : i32
      %dma_start3A_190 = tpu.memref_slice %arg5[%mul3A_189] : memref<25600xi32, #tpu.memory_space<vmem>> -> memref<128xi32, #tpu.memory_space<vmem>>
      %dma_start3A_191 = arith.constant 0 : i32
      %dma_start3A_192 = arith.constant 0 : i32
      %dma_start3A_193 = tpu.memref_slice %arg2[%dma_start3A_191, %dma_start3A_192] : memref<1000000x128xf32, #tpu.memory_space<hbm>> -> memref<1000000x128xf32, #tpu.memory_space<hbm>>
      tpu.enqueue_indirect_dma source(%dma_start3A_193 : memref<1000000x128xf32, #tpu.memory_space<hbm>>) target(%arg9 : memref<128x128xf32, #tpu.memory_space<vmem>>) offsets(%dma_start3A_190 : memref<128xi32, #tpu.memory_space<vmem>>) semaphore(%arg14 : memref<!tpu.dma_semaphore, #tpu.memory_space<semaphore_mem>>)
      %add3A_194 = arith.constant 4 : i32
      %add3A_195 = arith.addi %mul3A_73, %add3A_194 : i32
      %dma_wait3A_196 = arith.constant 0 : i32
      %dma_wait3A_197 = arith.constant 0 : i32
      %dma_wait3A_198 = tpu.memref_slice %arg2[%dma_wait3A_196, %dma_wait3A_197] : memref<1000000x128xf32, #tpu.memory_space<hbm>> -> memref<128x128xf32, #tpu.memory_space<hbm>>
      %dma_wait3A_199 = arith.constant 0 : i32
      %dma_wait3A_200 = arith.constant 0 : i32
      %dma_wait3A_201 = tpu.memref_slice %arg2[%dma_wait3A_199, %dma_wait3A_200] : memref<1000000x128xf32, #tpu.memory_space<hbm>> -> memref<128x128xf32, #tpu.memory_space<hbm>>
      tpu.wait_dma2 semaphore(%arg15 : memref<!tpu.dma_semaphore, #tpu.memory_space<semaphore_mem>>) src(%dma_wait3A_201 : memref<128x128xf32, #tpu.memory_space<hbm>>) dst(%arg10 : memref<128x128xf32, #tpu.memory_space<vmem>>)
      %mul3A_202 = arith.constant 128 : i32
      %mul3A_203 = arith.muli %add3A_195, %mul3A_202 : i32
      %add3A_204 = arith.addi %mul3A_2, %mul3A_203 : i32
      %dma_start3A_205 = arith.constant 0 : i32
      %dma_start3A_206 = tpu.memref_slice %arg4[%add3A_204, %dma_start3A_205] : memref<819200x128xf32, #tpu.memory_space<hbm>> -> memref<128x128xf32, #tpu.memory_space<hbm>>
      %dma_start3A_207 = arith.constant 0 : i32
      %dma_start3A_208 = tpu.memref_slice %arg4[%add3A_204, %dma_start3A_207] : memref<819200x128xf32, #tpu.memory_space<hbm>> -> memref<128x128xf32, #tpu.memory_space<hbm>>
      tpu.enqueue_dma source(%arg10 : memref<128x128xf32, #tpu.memory_space<vmem>>) target(%dma_start3A_208 : memref<128x128xf32, #tpu.memory_space<hbm>>) target_semaphore(%arg20 : memref<!tpu.dma_semaphore, #tpu.memory_space<semaphore_mem>>)
      %mul3A_209 = arith.constant 128 : i32
      %mul3A_210 = arith.muli %add3A_195, %mul3A_209 : i32
      %add3A_211 = arith.addi %mul3A_2, %mul3A_210 : i32
      %dma_wait3A_212 = arith.constant 0 : i32
      %dma_wait3A_213 = tpu.memref_slice %arg4[%add3A_211, %dma_wait3A_212] : memref<819200x128xf32, #tpu.memory_space<hbm>> -> memref<128x128xf32, #tpu.memory_space<hbm>>
      %dma_wait3A_214 = arith.constant 0 : i32
      %dma_wait3A_215 = tpu.memref_slice %arg4[%add3A_211, %dma_wait3A_214] : memref<819200x128xf32, #tpu.memory_space<hbm>> -> memref<128x128xf32, #tpu.memory_space<hbm>>
      tpu.wait_dma2 semaphore(%arg20 : memref<!tpu.dma_semaphore, #tpu.memory_space<semaphore_mem>>) src(%arg10 : memref<128x128xf32, #tpu.memory_space<vmem>>) dst(%dma_wait3A_215 : memref<128x128xf32, #tpu.memory_space<hbm>>)
      %add3A_216 = arith.constant 5 : i32
      %add3A_217 = arith.addi %add3A_195, %add3A_216 : i32
      %mul3A_218 = arith.constant 128 : i32
      %mul3A_219 = arith.muli %add3A_217, %mul3A_218 : i32
      %dma_start3A_220 = tpu.memref_slice %arg5[%mul3A_219] : memref<25600xi32, #tpu.memory_space<vmem>> -> memref<128xi32, #tpu.memory_space<vmem>>
      %dma_start3A_221 = arith.constant 0 : i32
      %dma_start3A_222 = arith.constant 0 : i32
      %dma_start3A_223 = tpu.memref_slice %arg2[%dma_start3A_221, %dma_start3A_222] : memref<1000000x128xf32, #tpu.memory_space<hbm>> -> memref<1000000x128xf32, #tpu.memory_space<hbm>>
      tpu.enqueue_indirect_dma source(%dma_start3A_223 : memref<1000000x128xf32, #tpu.memory_space<hbm>>) target(%arg10 : memref<128x128xf32, #tpu.memory_space<vmem>>) offsets(%dma_start3A_220 : memref<128xi32, #tpu.memory_space<vmem>>) semaphore(%arg15 : memref<!tpu.dma_semaphore, #tpu.memory_space<semaphore_mem>>)
    }
    %scan3A_31 = arith.constant 39 : i32
    %dma_wait3A = arith.constant 0 : i32
    %dma_wait3A_32 = arith.constant 0 : i32
    %dma_wait3A_33 = tpu.memref_slice %arg2[%dma_wait3A, %dma_wait3A_32] : memref<1000000x128xf32, #tpu.memory_space<hbm>> -> memref<128x128xf32, #tpu.memory_space<hbm>>
    %dma_wait3A_34 = arith.constant 0 : i32
    %dma_wait3A_35 = arith.constant 0 : i32
    %dma_wait3A_36 = tpu.memref_slice %arg2[%dma_wait3A_34, %dma_wait3A_35] : memref<1000000x128xf32, #tpu.memory_space<hbm>> -> memref<128x128xf32, #tpu.memory_space<hbm>>
    tpu.wait_dma2 semaphore(%arg11 : memref<!tpu.dma_semaphore, #tpu.memory_space<semaphore_mem>>) src(%dma_wait3A_36 : memref<128x128xf32, #tpu.memory_space<hbm>>) dst(%arg6 : memref<128x128xf32, #tpu.memory_space<vmem>>)
    %add3A_37 = arith.constant 24960 : i32
    %add3A_38 = arith.addi %mul3A_2, %add3A_37 : i32
    "tpu.region"() ({
      %run_scoped3A = tpu.sem_alloc : memref<!tpu.dma_semaphore, #tpu.memory_space<semaphore_mem>>
      %dma_start3A_71 = arith.constant 0 : i32
      %dma_start3A_72 = tpu.memref_slice %arg4[%add3A_38, %dma_start3A_71] : memref<819200x128xf32, #tpu.memory_space<hbm>> -> memref<128x128xf32, #tpu.memory_space<hbm>>
      %dma_start3A_73 = arith.constant 0 : i32
      %dma_start3A_74 = tpu.memref_slice %arg4[%add3A_38, %dma_start3A_73] : memref<819200x128xf32, #tpu.memory_space<hbm>> -> memref<128x128xf32, #tpu.memory_space<hbm>>
      tpu.enqueue_dma source(%arg6 : memref<128x128xf32, #tpu.memory_space<vmem>>) target(%dma_start3A_74 : memref<128x128xf32, #tpu.memory_space<hbm>>) target_semaphore(%run_scoped3A : memref<!tpu.dma_semaphore, #tpu.memory_space<semaphore_mem>>)
      %dma_wait3A_75 = arith.constant 0 : i32
      %dma_wait3A_76 = tpu.memref_slice %arg4[%add3A_38, %dma_wait3A_75] : memref<819200x128xf32, #tpu.memory_space<hbm>> -> memref<128x128xf32, #tpu.memory_space<hbm>>
      %dma_wait3A_77 = arith.constant 0 : i32
      %dma_wait3A_78 = tpu.memref_slice %arg4[%add3A_38, %dma_wait3A_77] : memref<819200x128xf32, #tpu.memory_space<hbm>> -> memref<128x128xf32, #tpu.memory_space<hbm>>
      tpu.wait_dma2 semaphore(%run_scoped3A : memref<!tpu.dma_semaphore, #tpu.memory_space<semaphore_mem>>) src(%arg6 : memref<128x128xf32, #tpu.memory_space<vmem>>) dst(%dma_wait3A_78 : memref<128x128xf32, #tpu.memory_space<hbm>>)
      tpu.yield
    }) : () -> ()
    %dma_wait3A_39 = arith.constant 0 : i32
    %dma_wait3A_40 = arith.constant 0 : i32
    %dma_wait3A_41 = tpu.memref_slice %arg2[%dma_wait3A_39, %dma_wait3A_40] : memref<1000000x128xf32, #tpu.memory_space<hbm>> -> memref<128x128xf32, #tpu.memory_space<hbm>>
    %dma_wait3A_42 = arith.constant 0 : i32
    %dma_wait3A_43 = arith.constant 0 : i32
    %dma_wait3A_44 = tpu.memref_slice %arg2[%dma_wait3A_42, %dma_wait3A_43] : memref<1000000x128xf32, #tpu.memory_space<hbm>> -> memref<128x128xf32, #tpu.memory_space<hbm>>
    tpu.wait_dma2 semaphore(%arg12 : memref<!tpu.dma_semaphore, #tpu.memory_space<semaphore_mem>>) src(%dma_wait3A_44 : memref<128x128xf32, #tpu.memory_space<hbm>>) dst(%arg7 : memref<128x128xf32, #tpu.memory_space<vmem>>)
    %add3A_45 = arith.constant 25088 : i32
    %add3A_46 = arith.addi %mul3A_2, %add3A_45 : i32
    "tpu.region"() ({
      %run_scoped3A = tpu.sem_alloc : memref<!tpu.dma_semaphore, #tpu.memory_space<semaphore_mem>>
      %dma_start3A_71 = arith.constant 0 : i32
      %dma_start3A_72 = tpu.memref_slice %arg4[%add3A_46, %dma_start3A_71] : memref<819200x128xf32, #tpu.memory_space<hbm>> -> memref<128x128xf32, #tpu.memory_space<hbm>>
      %dma_start3A_73 = arith.constant 0 : i32
      %dma_start3A_74 = tpu.memref_slice %arg4[%add3A_46, %dma_start3A_73] : memref<819200x128xf32, #tpu.memory_space<hbm>> -> memref<128x128xf32, #tpu.memory_space<hbm>>
      tpu.enqueue_dma source(%arg7 : memref<128x128xf32, #tpu.memory_space<vmem>>) target(%dma_start3A_74 : memref<128x128xf32, #tpu.memory_space<hbm>>) target_semaphore(%run_scoped3A : memref<!tpu.dma_semaphore, #tpu.memory_space<semaphore_mem>>)
      %dma_wait3A_75 = arith.constant 0 : i32
      %dma_wait3A_76 = tpu.memref_slice %arg4[%add3A_46, %dma_wait3A_75] : memref<819200x128xf32, #tpu.memory_space<hbm>> -> memref<128x128xf32, #tpu.memory_space<hbm>>
      %dma_wait3A_77 = arith.constant 0 : i32
      %dma_wait3A_78 = tpu.memref_slice %arg4[%add3A_46, %dma_wait3A_77] : memref<819200x128xf32, #tpu.memory_space<hbm>> -> memref<128x128xf32, #tpu.memory_space<hbm>>
      tpu.wait_dma2 semaphore(%run_scoped3A : memref<!tpu.dma_semaphore, #tpu.memory_space<semaphore_mem>>) src(%arg7 : memref<128x128xf32, #tpu.memory_space<vmem>>) dst(%dma_wait3A_78 : memref<128x128xf32, #tpu.memory_space<hbm>>)
      tpu.yield
    }) : () -> ()
    %dma_wait3A_47 = arith.constant 0 : i32
    %dma_wait3A_48 = arith.constant 0 : i32
    %dma_wait3A_49 = tpu.memref_slice %arg2[%dma_wait3A_47, %dma_wait3A_48] : memref<1000000x128xf32, #tpu.memory_space<hbm>> -> memref<128x128xf32, #tpu.memory_space<hbm>>
    %dma_wait3A_50 = arith.constant 0 : i32
    %dma_wait3A_51 = arith.constant 0 : i32
    %dma_wait3A_52 = tpu.memref_slice %arg2[%dma_wait3A_50, %dma_wait3A_51] : memref<1000000x128xf32, #tpu.memory_space<hbm>> -> memref<128x128xf32, #tpu.memory_space<hbm>>
    tpu.wait_dma2 semaphore(%arg13 : memref<!tpu.dma_semaphore, #tpu.memory_space<semaphore_mem>>) src(%dma_wait3A_52 : memref<128x128xf32, #tpu.memory_space<hbm>>) dst(%arg8 : memref<128x128xf32, #tpu.memory_space<vmem>>)
    %add3A_53 = arith.constant 25216 : i32
    %add3A_54 = arith.addi %mul3A_2, %add3A_53 : i32
    "tpu.region"() ({
      %run_scoped3A = tpu.sem_alloc : memref<!tpu.dma_semaphore, #tpu.memory_space<semaphore_mem>>
      %dma_start3A_71 = arith.constant 0 : i32
      %dma_start3A_72 = tpu.memref_slice %arg4[%add3A_54, %dma_start3A_71] : memref<819200x128xf32, #tpu.memory_space<hbm>> -> memref<128x128xf32, #tpu.memory_space<hbm>>
      %dma_start3A_73 = arith.constant 0 : i32
      %dma_start3A_74 = tpu.memref_slice %arg4[%add3A_54, %dma_start3A_73] : memref<819200x128xf32, #tpu.memory_space<hbm>> -> memref<128x128xf32, #tpu.memory_space<hbm>>
      tpu.enqueue_dma source(%arg8 : memref<128x128xf32, #tpu.memory_space<vmem>>) target(%dma_start3A_74 : memref<128x128xf32, #tpu.memory_space<hbm>>) target_semaphore(%run_scoped3A : memref<!tpu.dma_semaphore, #tpu.memory_space<semaphore_mem>>)
      %dma_wait3A_75 = arith.constant 0 : i32
      %dma_wait3A_76 = tpu.memref_slice %arg4[%add3A_54, %dma_wait3A_75] : memref<819200x128xf32, #tpu.memory_space<hbm>> -> memref<128x128xf32, #tpu.memory_space<hbm>>
      %dma_wait3A_77 = arith.constant 0 : i32
      %dma_wait3A_78 = tpu.memref_slice %arg4[%add3A_54, %dma_wait3A_77] : memref<819200x128xf32, #tpu.memory_space<hbm>> -> memref<128x128xf32, #tpu.memory_space<hbm>>
      tpu.wait_dma2 semaphore(%run_scoped3A : memref<!tpu.dma_semaphore, #tpu.memory_space<semaphore_mem>>) src(%arg8 : memref<128x128xf32, #tpu.memory_space<vmem>>) dst(%dma_wait3A_78 : memref<128x128xf32, #tpu.memory_space<hbm>>)
      tpu.yield
    }) : () -> ()
    %dma_wait3A_55 = arith.constant 0 : i32
    %dma_wait3A_56 = arith.constant 0 : i32
    %dma_wait3A_57 = tpu.memref_slice %arg2[%dma_wait3A_55, %dma_wait3A_56] : memref<1000000x128xf32, #tpu.memory_space<hbm>> -> memref<128x128xf32, #tpu.memory_space<hbm>>
    %dma_wait3A_58 = arith.constant 0 : i32
    %dma_wait3A_59 = arith.constant 0 : i32
    %dma_wait3A_60 = tpu.memref_slice %arg2[%dma_wait3A_58, %dma_wait3A_59] : memref<1000000x128xf32, #tpu.memory_space<hbm>> -> memref<128x128xf32, #tpu.memory_space<hbm>>
    tpu.wait_dma2 semaphore(%arg14 : memref<!tpu.dma_semaphore, #tpu.memory_space<semaphore_mem>>) src(%dma_wait3A_60 : memref<128x128xf32, #tpu.memory_space<hbm>>) dst(%arg9 : memref<128x128xf32, #tpu.memory_space<vmem>>)
    %add3A_61 = arith.constant 25344 : i32
    %add3A_62 = arith.addi %mul3A_2, %add3A_61 : i32
    "tpu.region"() ({
      %run_scoped3A = tpu.sem_alloc : memref<!tpu.dma_semaphore, #tpu.memory_space<semaphore_mem>>
      %dma_start3A_71 = arith.constant 0 : i32
      %dma_start3A_72 = tpu.memref_slice %arg4[%add3A_62, %dma_start3A_71] : memref<819200x128xf32, #tpu.memory_space<hbm>> -> memref<128x128xf32, #tpu.memory_space<hbm>>
      %dma_start3A_73 = arith.constant 0 : i32
      %dma_start3A_74 = tpu.memref_slice %arg4[%add3A_62, %dma_start3A_73] : memref<819200x128xf32, #tpu.memory_space<hbm>> -> memref<128x128xf32, #tpu.memory_space<hbm>>
      tpu.enqueue_dma source(%arg9 : memref<128x128xf32, #tpu.memory_space<vmem>>) target(%dma_start3A_74 : memref<128x128xf32, #tpu.memory_space<hbm>>) target_semaphore(%run_scoped3A : memref<!tpu.dma_semaphore, #tpu.memory_space<semaphore_mem>>)
      %dma_wait3A_75 = arith.constant 0 : i32
      %dma_wait3A_76 = tpu.memref_slice %arg4[%add3A_62, %dma_wait3A_75] : memref<819200x128xf32, #tpu.memory_space<hbm>> -> memref<128x128xf32, #tpu.memory_space<hbm>>
      %dma_wait3A_77 = arith.constant 0 : i32
      %dma_wait3A_78 = tpu.memref_slice %arg4[%add3A_62, %dma_wait3A_77] : memref<819200x128xf32, #tpu.memory_space<hbm>> -> memref<128x128xf32, #tpu.memory_space<hbm>>
      tpu.wait_dma2 semaphore(%run_scoped3A : memref<!tpu.dma_semaphore, #tpu.memory_space<semaphore_mem>>) src(%arg9 : memref<128x128xf32, #tpu.memory_space<vmem>>) dst(%dma_wait3A_78 : memref<128x128xf32, #tpu.memory_space<hbm>>)
      tpu.yield
    }) : () -> ()
    %dma_wait3A_63 = arith.constant 0 : i32
    %dma_wait3A_64 = arith.constant 0 : i32
    %dma_wait3A_65 = tpu.memref_slice %arg2[%dma_wait3A_63, %dma_wait3A_64] : memref<1000000x128xf32, #tpu.memory_space<hbm>> -> memref<128x128xf32, #tpu.memory_space<hbm>>
    %dma_wait3A_66 = arith.constant 0 : i32
    %dma_wait3A_67 = arith.constant 0 : i32
    %dma_wait3A_68 = tpu.memref_slice %arg2[%dma_wait3A_66, %dma_wait3A_67] : memref<1000000x128xf32, #tpu.memory_space<hbm>> -> memref<128x128xf32, #tpu.memory_space<hbm>>
    tpu.wait_dma2 semaphore(%arg15 : memref<!tpu.dma_semaphore, #tpu.memory_space<semaphore_mem>>) src(%dma_wait3A_68 : memref<128x128xf32, #tpu.memory_space<hbm>>) dst(%arg10 : memref<128x128xf32, #tpu.memory_space<vmem>>)
    %add3A_69 = arith.constant 25472 : i32
    %add3A_70 = arith.addi %mul3A_2, %add3A_69 : i32
    "tpu.region"() ({
      %run_scoped3A = tpu.sem_alloc : memref<!tpu.dma_semaphore, #tpu.memory_space<semaphore_mem>>
      %dma_start3A_71 = arith.constant 0 : i32
      %dma_start3A_72 = tpu.memref_slice %arg4[%add3A_70, %dma_start3A_71] : memref<819200x128xf32, #tpu.memory_space<hbm>> -> memref<128x128xf32, #tpu.memory_space<hbm>>
      %dma_start3A_73 = arith.constant 0 : i32
      %dma_start3A_74 = tpu.memref_slice %arg4[%add3A_70, %dma_start3A_73] : memref<819200x128xf32, #tpu.memory_space<hbm>> -> memref<128x128xf32, #tpu.memory_space<hbm>>
      tpu.enqueue_dma source(%arg10 : memref<128x128xf32, #tpu.memory_space<vmem>>) target(%dma_start3A_74 : memref<128x128xf32, #tpu.memory_space<hbm>>) target_semaphore(%run_scoped3A : memref<!tpu.dma_semaphore, #tpu.memory_space<semaphore_mem>>)
      %dma_wait3A_75 = arith.constant 0 : i32
      %dma_wait3A_76 = tpu.memref_slice %arg4[%add3A_70, %dma_wait3A_75] : memref<819200x128xf32, #tpu.memory_space<hbm>> -> memref<128x128xf32, #tpu.memory_space<hbm>>
      %dma_wait3A_77 = arith.constant 0 : i32
      %dma_wait3A_78 = tpu.memref_slice %arg4[%add3A_70, %dma_wait3A_77] : memref<819200x128xf32, #tpu.memory_space<hbm>> -> memref<128x128xf32, #tpu.memory_space<hbm>>
      tpu.wait_dma2 semaphore(%run_scoped3A : memref<!tpu.dma_semaphore, #tpu.memory_space<semaphore_mem>>) src(%arg10 : memref<128x128xf32, #tpu.memory_space<vmem>>) dst(%dma_wait3A_78 : memref<128x128xf32, #tpu.memory_space<hbm>>)
      tpu.yield
    }) : () -> ()
    return
  }
}

</mosaic_0001>

<sc_bundles>
// kernel: kernel.3.cloned.1.call-start
scs
__scs_entry_jumppad:
0x0: {  	(pc) =	sbr.rel $0x88, $3  }
0x1: {  	(tag) =	ssettag $0x0;
	lr =	simm.s32 $0x1  }
0x2: {  	[smem:$0x3F9F] =	sst lr;
	_ =	strace $0xD0000000  }
0x3: {  	_ = 	snop  }
0x4: {  	_ = 	snop  }
0x5: {  	_ = 	snop  }
0x6: {  	_ = 	snop  }
0x7: {  	_ = 	snop  }
__scs_overlays_trampoline_lowered:
0x8: {  	[smem:$0x3FAE] =	sst s0  }
0x9: {  	[smem:$0x3FAF] =	sst s1  }
0xa: {  	[smem:$0x3FB0] =	sst s2  }
0xb: {  	[smem:$0x3FB1] =	sst s3  }
0xc: {  	[smem:$0x3FB2] =	sst s4  }
0xd: {  	[smem:$0x3FB3] =	sst s5  }
0xe: {  	[smem:$0x3FB4] =	sst s6  }
0xf: {  	[smem:$0x3FB5] =	sst s7  }
0x10: {  	[smem:$0x3FB6] =	sst s8  }
0x11: {  	[smem:$0x3FB7] =	sst s9;
	s0 =	simm.s32 @!p0 $0x0  }
0x12: {  	s1 =	sld [smem:$0x3F9D];
	s0 =	simm.s32 @p0 $0x1  }
0x13: {  	[smem:$0x3FB8] =	sst s0;
	s0 =	simm.s32 @!p1 $0x0  }
0x14: {  	s2 =	sld [smem:$0x3F9C];
	s0 =	simm.s32 @p1 $0x1  }
0x15: {  	[smem:$0x3FB9] =	sst s0;
	s0 =	simm.s32 @!p2 $0x0  }
0x16: {  	s3 =	sld [smem:$0x3FDB];
	s0 =	simm.s32 @p2 $0x1  }
0x17: {  	s4 =	simm.s32 $0x1BF5;
	[smem:$0x3FBB] =	sst s0  }
0x18: {  	s0 =	sld [smem:$0x3F9E];
	_ =	swait.ge [sflag:s4], $0x0  }
0x19: {  	s7 =	sld [smem:$0x3F9F]  }
0x1a: {  	s8 =	sadd.s32 $0xFFFFE003, lr  }
0x1b: {  	s9 =	sadd.s32 $0xFFFFFEF7, lr;
	s5 =	simm.s32 $0xFFFFFFFF;
	p2 =	slt.u32 s8, $0xFFFFF086  }
0x1c: {  	p1 =	slt.u32 s9, $0xF7A;
	s5 =	simm.s32 @!p2 $0x0  }
0x1d: {  	s5 =	simm.s32 @p1 $0x1;
	p0 =	seq.s32 s7, s2  }
0x1e: {  	s7 =	smul.u32 @!p0 $0xF7A, s2;
	p2 =	seq.s32 @!p0 s5, $0x0  }
0x1f: {  	s9 =	smul.u32 $0xF7A, s1;
	s8 =	simm.s32 @!p0 $0x1BF5;
	p2 =	por !p2, p0  }
0x20: {  	[sflag:s8] =	ssyncset.s32 @!p0 $0xFFFFF086;
	s6 =	sadd.s32 @!p0 s3, s7;
	s7 =	simm.s32 @!p0 $0x108  }
0x21: {  	s3 =	sadd.s32 s3, s9;
	s6 =	sadd.s32 @!p0 $0x88, s6;
	s7 =	simm.s32 @p2 $0x1082  }
0x22: {  	[simem:s7], [sflag:s8] =	dma.local @!p0 [hbm:s6], $0xF7A  }
0x23: {  	s9 =	sor.u32 $0xD0000000, s2;
	s6 =	simm.s32 $0x108;
	_ =	swait.ge @!p0 [sflag:s8], $0x0  }
0x24: {  	s3 =	sadd.s32 $0x88, s3;
	s6 =	simm.s32 @!p1 $0x1082;
	[sflag:s4] =	ssyncset.s32 $0xFFFFF086  }
0x25: {  	[simem:s6], [sflag:s4] =	dma.local [hbm:s3], $0xF7A  }
0x26: {  	[smem:$0x3F9F] =	sst s1;
	(tag) =	ssettag s2;
	_ =	strace s9  }
0x27: {  	s1 =	sld [smem:$0x3FAF]  }
0x28: {  	s2 =	sld [smem:$0x3FB0]  }
0x29: {  	s4 =	sld [smem:$0x3FB2]  }
0x2a: {  	p0 =	seq.s32 s5, $0x0;
	s5 =	sld [smem:$0x3FB3]  }
0x2b: {  	s6 =	sld [smem:$0x3FB4]  }
0x2c: {  	s7 =	sld [smem:$0x3FB5]  }
0x2d: {  	s3 =	simm.s32 $0x108;
	s8 =	sld [smem:$0x3FB6]  }
0x2e: {  	s3 =	simm.s32 @!p0 $0x1082;
	s9 =	sld [smem:$0x3FB7]  }
0x2f: {  	lr =	sadd.s32 s0, s3;
	s0 =	sld [smem:$0x3FAE]  }
0x30: {  	s3 =	sld [smem:$0x3FB1]  }
0x31: {  	[smem:$0x3FBA] =	sst s10  }
0x32: {  	s10 =	sld [smem:$0x3FB8];
	_ =	sdelay $0x3  }
0x33: {  	p0 =	seq.s32 s10, $0x1;
	s10 =	sld [smem:$0x3FBA];
	_ =	sdelay $0x3  }
0x34: {  	[smem:$0x3FBA] =	sst s10  }
0x35: {  	s10 =	sld [smem:$0x3FB9];
	_ =	sdelay $0x3  }
0x36: {  	p1 =	seq.s32 s10, $0x1;
	s10 =	sld [smem:$0x3FBA];
	_ =	sdelay $0x3  }
0x37: {  	[smem:$0x3FBA] =	sst s10  }
0x38: {  	s10 =	sld [smem:$0x3FBB]  }
0x39: {  	_ = 	snop;
	(pc) =	sbr.ind lr, $3  }
0x3a: {  	_ = 	snop  }
0x3b: {  	_ = 	snop  }
0x3c: {  	p2 =	seq.s32 s10, $0x1;
	s10 =	sld [smem:$0x3FBA]  }
0x3d: {  	_ =	shalt  }
0x3e: {  	_ =	shalt  }
0x3f: {  	_ =	shalt  }
0x40: {  	_ =	shalt  }
0x41: {  	_ =	shalt  }
0x42: {  	_ =	shalt  }
0x43: {  	_ =	shalt  }
0x44: {  	_ =	shalt  }
0x45: {  	_ =	shalt  }
0x46: {  	_ =	shalt  }
0x47: {  	_ =	shalt  }
0x48: {  	_ =	shalt  }
0x49: {  	_ =	shalt  }
0x4a: {  	_ =	shalt  }
0x4b: {  	_ =	shalt  }
0x4c: {  	_ =	shalt  }
0x4d: {  	_ =	shalt  }
0x4e: {  	_ =	shalt  }
0x4f: {  	_ =	shalt  }
0x50: {  	_ =	shalt  }
0x51: {  	_ =	shalt  }
0x52: {  	_ =	shalt  }
0x53: {  	_ =	shalt  }
0x54: {  	_ =	shalt  }
0x55: {  	_ =	shalt  }
0x56: {  	_ =	shalt  }
0x57: {  	_ =	shalt  }
0x58: {  	_ =	shalt  }
0x59: {  	_ =	shalt  }
0x5a: {  	_ =	shalt  }
0x5b: {  	_ =	shalt  }
0x5c: {  	_ =	shalt  }
0x5d: {  	_ =	shalt  }
0x5e: {  	_ =	shalt  }
0x5f: {  	_ =	shalt  }
0x60: {  	_ =	shalt  }
0x61: {  	_ =	shalt  }
0x62: {  	_ =	shalt  }
0x63: {  	_ =	shalt  }
0x64: {  	_ =	shalt  }
0x65: {  	_ =	shalt  }
0x66: {  	_ =	shalt  }
0x67: {  	_ =	shalt  }
0x68: {  	_ =	shalt  }
0x69: {  	_ =	shalt  }
0x6a: {  	_ =	shalt  }
0x6b: {  	_ =	shalt  }
0x6c: {  	_ =	shalt  }
0x6d: {  	_ =	shalt  }
0x6e: {  	_ =	shalt  }
0x6f: {  	_ =	shalt  }
0x70: {  	_ =	shalt  }
0x71: {  	_ =	shalt  }
0x72: {  	_ =	shalt  }
0x73: {  	_ =	shalt  }
0x74: {  	_ =	shalt  }
0x75: {  	_ =	shalt  }
0x76: {  	_ =	shalt  }
0x77: {  	_ =	shalt  }
0x78: {  	_ =	shalt  }
0x79: {  	_ =	shalt  }
0x7a: {  	_ =	shalt  }
0x7b: {  	_ =	shalt  }
0x7c: {  	_ =	shalt  }
0x7d: {  	_ =	shalt  }
0x7e: {  	_ =	shalt  }
0x7f: {  	_ =	shalt  }
0x80: {  	_ =	shalt  }
0x81: {  	_ =	shalt  }
0x82: {  	_ =	shalt  }
0x83: {  	_ =	shalt  }
0x84: {  	_ =	shalt  }
0x85: {  	_ =	shalt  }
0x86: {  	_ =	shalt  }
0x87: {  	_ =	shalt  }
.Lfunc_end0:
.L_simem_size_0:
called_computation.1_lowered:
.L_overlay_start_0:
0x88: {  	s2 =	sld [smem:$0x3FD9]  }
0x89: {  	s3 =	sld [smem:$0x3FFE];
	_ =	sdelay $0x1  }
0x8a: {  	s1 =	srdreg.scid  }
0x8b: {  	s0 =	sand.u32 $0x1, s1  }
0x8c: {  	s17 =	sshll.u32 s0, $0xA;
	s2 =	sadd.s32 s3, s2  }
0x8d: {  	s2 =	sadd.s32 s2, s17  }
0x8e: {  	[smem:$0x3FC6] =	sst s2  }
0x8f: {  	_ = 	snop  }
0x90: {  	s2 =	sld [smem:$0x3FD0];
	(tm) =	ssettm $0x1  }
0x91: {  	s18 =	sld [smem:$0x3FFB];
	_ =	sdelay $0x3  }
0x92: {  	_ =	strace s18  }
0x93: {  	s3 =	sld [smem:$0x3FFC];
	_ =	sdelay $0x3  }
0x94: {  	_ =	strace s3  }
0x95: {  	s3 =	sld [smem:$0x3FFD];
	_ =	sdelay $0x3  }
0x96: {  	_ =	strace s3  }
0x97: {  	_ =	strace $0x8FFFFFFF  }
0x98: {  	s19 =	sld [smem:$0x3FDB];
	_ =	sdelay $0x1  }
0x99: {  	s4 =	simm.s32 $_scs_section_size  }
0x9a: {  	s5 =	simm.s32 $_size__tile_overlayer_lowered;
	s6 =	simm.s32 $_tile_overlayer_lowered  }
0x9b: {  	s22 =	simm.s32 $0x1BFF;
	s21 =	sshll.u32 s6, $0x1;
	s3 =	sadd.s32 s4, s19  }
0x9c: {  	s7 =	simm.s32 $0x0;
	s20 =	sshll.u32 s5, $0x1;
	s5 =	sadd.s32 s21, s3  }
0x9d: {  	[timem:s7], [sflag:s22] =	dma.local [hbm:s5], s20  }
0x9e: {  	_ =	swait.ge [sflag:s22], s20  }
0x9f: {  	s4 =	ssub.s32 $0x0, s20;
	[sflag:s22] =	ssyncset.done $0x0  }
0xa0: {  	[sflag:s22] =	ssyncadd.s32 s4;
	_ =	sdelay $0x1  }
0xa1: {  	s23 =	simm.s32 $0x1B8B  }
0xa2: {  	_ =	swait.ge [sflag:s23], $0x1  }
0xa3: {  	[sflag:s23] =	ssyncset.done $0x0  }
0xa4: {  	s25 =	simm.s32 $0x1B8E;
	s24 =	sld [smem:$0x3FFE];
	[sflag:s23] =	ssyncadd.s32 $0xFFFFFFFF  }
0xa5: {  	s26 =	simm.s32 $execute0_lowered;
	[smem:$0x3FD2] =	sst s25  }
0xa6: {  	s5 =	sshll.u32 s26, $0x1;
	_ =	strace $0x80000046;
	[dreg:$0x1] =	wrdreg $0xFFFFFFFF  }
0xa7: {  	s28 =	simm.s32 $_size_execute0_lowered;
	s3 =	sadd.s32 s3, s5;
	[dreg:$0x0] =	wrdreg $0x0  }
0xa8: {  	s5 =	sshll.u32 s28, $0x1;
	[dreg:$0x2] =	wrdreg s3  }
0xa9: {  	[dreg:$0x3] =	wrdreg s5  }
0xaa: {  	[dreg:$0x4] =	wrdreg $0xC0  }
0xab: {  	_ =	task [dreg:s7], $0x5FFFF  }
0xac: {  	[dreg:$0x1] =	wrdreg $0xFFFFFFFF  }
0xad: {  	[dreg:$0x0] =	wrdreg $0x60  }
0xae: {  	[dreg:$0x2] =	wrdreg s24  }
0xaf: {  	[dreg:$0x3] =	wrdreg s2  }
0xb0: {  	[dreg:$0x4] =	wrdreg $0x9  }
0xb1: {  	_ =	task.clear_ibuf [dreg:s7], $0x5FFFF;
	_ =	strace $0x90000046  }
0xb2: {  	s29 =	simm.s32 $0x9;
	_ =	strace $0x80000048  }
0xb3: {  	_ =	swait.ge [sflag:s29], $0x1  }
0xb4: {  	[sflag:s29] =	ssyncadd.s32 $0xFFFFFFFF  }
0xb5: {  	_ =	strace $0x90000048  }
0xb6: {  	_ =	sfence  }
0xb7: {  	s30 =	sld [smem:$0x0];
	_ =	sdelay $0x2  }
0xb8: {  	s31 =	sshll.u32 s1, $0xD;
	s1 =	sshrl.u32 s1, $0x2  }
0xb9: {  	s3 =	sand.u32 $0x4000, s31;
	s1 =	sadd.s32 s1, s30  }
0xba: {  	s0 =	sor.u32 s3, s0;
	s1 =	sshll.u32 s1, $0x11  }
0xbb: {  	s0 =	sor.u32 s1, s0  }
0xbc: {  	s0 =	sadd.s32 $0x8F2B, s0  }
0xbd: {  	[sflag:s0] =	ssyncadd.remote.s32 $0x1  }
0xbe: {  	_ =	sfence.sel $0xFFFF  }
0xbf: {  	[dreg:$0x0] =	wrdreg $0xFFFFFFFF;
	(pc) =	sbr.abs _section_cstart, $3  }
0xc0: {  	[dreg:$0x1] =	wrdreg $0xFFFFFFFF  }
0xc1: {  	_ =	task.clear_ibuf [dreg:s7], $0x2FFFF;
	_ =	strace $0x9FFFFFFF  }
0xc2: {  	(tm) =	ssettm $0x7FFFFFFF  }
0xc3: {  	_ =	shalt  }
tec
execute0_lowered:
.L_overlay_start_1:
0x0: {  	(tag) =	ssettag $0x1  }
0x1: {  	s0 =	rddreg [dreg:$0x0]  }
0x2: {  	s1 =	srdreg.scid;
	s9 =	stileid.u32  }
0x3: {  	s4 =	rddreg [dreg:$0x1];
	s2 =	simm.s32 $0x0;
	s12 =	simm.s32 $0xB  }
0x4: {  	s13 =	simm.s32 $0x80;
	s14 =	simm.s32 $0x6400;
	s15 =	simm.s32 $0xA400  }
0x5: {  	s17 =	simm.s32 $0xE400;
	s19 =	simm.s32 $0x12400;
	s21 =	simm.s32 $0x16400  }
0x6: {  	s22 =	simm.s32 $0x1;
	s28 =	simm.s32 $0x8;
	s29 =	simm.s32 $0x4  }
0x7: {  	s1 =	sand.u32 $0x1, s1;
	s3 =	sshll.u32 s9, $0x1;
	s25 =	smul.u32 $0xC8000, s9  }
0x8: {  	s3 =	sor.u32 s1, s3;
	s5 =	ssub.s32 $0x2, s1;
	s1 =	smul.u32 $0x64000, s1  }
0x9: {  	s30 =	simm.s32 $0x9;
	[smem:$0x7FF] =	sst s2;
	s6 =	smul.u32 $0x6400, s3  }
0xa: {  	s31 =	simm.s32 $0x5;
	_ =	strace $0x80000047;
	s8 =	smul.u32 $0x320000, s3  }
0xb: {  	s7 =	sshrl.u32 s5, $0x1;
	s3 =	sadd.s32 $0xF42E00, s0;
	s0 =	sadd.s32 $0xA00, s0  }
0xc: {  	s10 =	ssub.s32 s5, s7;
	s23 =	sshrl.u32 s6, $0x3;
	s24 =	sshrl.u32 s8, $0x3  }
0xd: {  	s10 =	smax.u32 s10, $0x1;
	s4 =	sadd.s32 s4, s23;
	s26 =	sadd.s32 s0, s24  }
0xe: {  	s0 =	sadd.s32 s25, s0;
	s23 =	simm.s32 $0x6;
	s24 =	simm.s32 $0x2  }
0xf: {  	s25 =	simm.s32 $0x7;
	[dreg:$0x3] =	wrdreg s4;
	s5 =	sadd.s32 $0x61800, s26  }
0x10: {  	s6 =	sadd.s32 $0x62000, s26;
	s7 =	sadd.s32 $0x62800, s26;
	s8 =	sadd.s32 $0x63000, s26  }
0x11: {  	s0 =	sadd.s32 s1, s0;
	s9 =	sadd.s32 $0x63800, s26;
	s26 =	simm.s32 $0x3  }
0x12: {  	s1 =	simm.s32 $0xA;
	s11 =	sadd.s32 $0x2000, s0;
	s0 =	simm.s32 $0x0  }
.LBB2_1:
0x13: {  	s4 =	rddreg [dreg:$0x3]  }
0x14: {  	[tilespmem:s2], [sflag:$0xB] =	stream.linear.gather [hbm4b:s4+s2], $0x6400, $0x38;
	[tilespmem:$0x1A400] =	vst v63  }
0x15: {  	_ =	swait.ge [sflag:s12], $0x6400  }
0x16: {  	[sflag:s12] =	ssyncset.done $0x0  }
0x17: {  	[sflag:s12] =	ssyncadd.s32 $0xFFFF9C00  }
0x18: {  	[tilespmem:s14], [sflag:$0x1] =	stream.indirect.gather [hbm4b:s3+s13], $0x80, s2, s13, $0xb8;
	[tilespmem:$0x1A400] =	vst v63  }
0x19: {  	_ = 	snop  }
0x1a: {  	[tilespmem:s15], [sflag:$0x2] =	stream.indirect.gather [hbm4b:s3+s13], $0x80, s13, s13, $0xb8;
	[tilespmem:$0x1A400] =	vst v63  }
0x1b: {  	s20 =	simm.s32 $0x100  }
0x1c: {  	[tilespmem:s17], [sflag:$0x3] =	stream.indirect.gather [hbm4b:s3+s13], $0x80, s20, s13, $0xb8;
	[tilespmem:$0x1A400] =	vst v63  }
0x1d: {  	s16 =	simm.s32 $0x180  }
0x1e: {  	[tilespmem:s19], [sflag:$0x4] =	stream.indirect.gather [hbm4b:s3+s13], $0x80, s16, s13, $0xb8;
	[tilespmem:$0x1A400] =	vst v63  }
0x1f: {  	s18 =	simm.s32 $0x200  }
0x20: {  	[tilespmem:s21], [sflag:$0x5] =	stream.indirect.gather [hbm4b:s3+s13], $0x80, s18, s13, $0xb8;
	[tilespmem:$0x1A400] =	vst v63  }
0x21: {  	_ =	swait.ge [sflag:s22], $0x4000  }
0x22: {  	[sflag:s22] =	ssyncset.done $0x0  }
0x23: {  	s16 =	sadd.s32 $0xFFFFE000, s11;
	[sflag:s22] =	ssyncadd.s32 $0xFFFFC000  }
0x24: {  	[hbm4b:s16+s2] =	stream.linear.scatter [tilespmem:s14], [sflag:$0x6], $0x4000, $0x38;
	[tilespmem:$0x1A400] =	vst v63  }
0x25: {  	_ =	swait.ge [sflag:s23], $0x4000  }
0x26: {  	[sflag:s23] =	ssyncset.done $0x0  }
0x27: {  	s20 =	simm.s32 $0x280;
	[sflag:s23] =	ssyncadd.s32 $0xFFFFC000  }
0x28: {  	[tilespmem:s14], [sflag:$0x1] =	stream.indirect.gather [hbm4b:s3+s13], $0x80, s20, s13, $0xb8;
	[tilespmem:$0x1A400] =	vst v63  }
0x29: {  	_ =	swait.ge [sflag:s24], $0x4000  }
0x2a: {  	[sflag:s24] =	ssyncset.done $0x0  }
0x2b: {  	s4 =	sadd.s32 $0xFFFFE800, s11;
	[sflag:s24] =	ssyncadd.s32 $0xFFFFC000  }
0x2c: {  	[hbm4b:s4+s2] =	stream.linear.scatter [tilespmem:s15], [sflag:$0x7], $0x4000, $0x38;
	[tilespmem:$0x1A400] =	vst v63  }
0x2d: {  	_ =	swait.ge [sflag:s25], $0x4000  }
0x2e: {  	[sflag:s25] =	ssyncset.done $0x0  }
0x2f: {  	s18 =	simm.s32 $0x300;
	[sflag:s25] =	ssyncadd.s32 $0xFFFFC000  }
0x30: {  	[tilespmem:s15], [sflag:$0x2] =	stream.indirect.gather [hbm4b:s3+s13], $0x80, s18, s13, $0xb8;
	[tilespmem:$0x1A400] =	vst v63  }
0x31: {  	_ =	swait.ge [sflag:s26], $0x4000  }
0x32: {  	[sflag:s26] =	ssyncset.done $0x0  }
0x33: {  	s20 =	sadd.s32 $0xFFFFF000, s11;
	[sflag:s26] =	ssyncadd.s32 $0xFFFFC000  }
0x34: {  	[hbm4b:s20+s2] =	stream.linear.scatter [tilespmem:s17], [sflag:$0x8], $0x4000, $0x38;
	[tilespmem:$0x1A400] =	vst v63  }
0x35: {  	_ =	swait.ge [sflag:s28], $0x4000  }
0x36: {  	[sflag:s28] =	ssyncset.done $0x0  }
0x37: {  	s4 =	simm.s32 $0x380;
	[sflag:s28] =	ssyncadd.s32 $0xFFFFC000  }
0x38: {  	[tilespmem:s17], [sflag:$0x3] =	stream.indirect.gather [hbm4b:s3+s13], $0x80, s4, s13, $0xb8;
	[tilespmem:$0x1A400] =	vst v63  }
0x39: {  	_ =	swait.ge [sflag:s29], $0x4000  }
0x3a: {  	[sflag:s29] =	ssyncset.done $0x0  }
0x3b: {  	s18 =	sadd.s32 $0xFFFFF800, s11;
	[sflag:s29] =	ssyncadd.s32 $0xFFFFC000  }
0x3c: {  	[hbm4b:s18+s2] =	stream.linear.scatter [tilespmem:s19], [sflag:$0x9], $0x4000, $0x38;
	[tilespmem:$0x1A400] =	vst v63  }
0x3d: {  	_ =	swait.ge [sflag:s30], $0x4000  }
0x3e: {  	[sflag:s30] =	ssyncset.done $0x0  }
0x3f: {  	s20 =	simm.s32 $0x400;
	[sflag:s30] =	ssyncadd.s32 $0xFFFFC000  }
0x40: {  	[tilespmem:s19], [sflag:$0x4] =	stream.indirect.gather [hbm4b:s3+s13], $0x80, s20, s13, $0xb8;
	[tilespmem:$0x1A400] =	vst v63  }
0x41: {  	_ =	swait.ge [sflag:s31], $0x4000  }
0x42: {  	[sflag:s31] =	ssyncset.done $0x0  }
0x43: {  	[sflag:s31] =	ssyncadd.s32 $0xFFFFC000  }
0x44: {  	[hbm4b:s11+s2] =	stream.linear.scatter [tilespmem:s21], [sflag:$0xA], $0x4000, $0x38;
	[tilespmem:$0x1A400] =	vst v63  }
0x45: {  	_ =	swait.ge [sflag:s1], $0x4000  }
0x46: {  	s16 =	simm.s32 $0xA00;
	[sflag:s1] =	ssyncset.done $0x0  }
0x47: {  	s18 =	sadd.s32 $0x2800, s11;
	s20 =	simm.s32 $0x480;
	[sflag:s1] =	ssyncadd.s32 $0xFFFFC000  }
.LBB2_2:
0x48: {  	[tilespmem:s21], [sflag:$0x5] =	stream.indirect.gather [hbm4b:s3+s13], $0x80, s20, s13, $0xb8;
	[tilespmem:$0x1A400] =	vst v63  }
0x49: {  	s20 =	smov.u32 s16  }
0x4a: {  	p0 =	sne.s32 s16, $0x17C00;
	s16 =	sadd.s32 $0xA00, s16;
	_ =	swait.ge [sflag:s22], $0x4000  }
0x4b: {  	[sflag:s22] =	ssyncset.done $0x0  }
0x4c: {  	s4 =	sadd.s32 $0xFFFFE000, s18;
	[sflag:s22] =	ssyncadd.s32 $0xFFFFC000  }
0x4d: {  	[hbm4b:s4+s2] =	stream.linear.scatter [tilespmem:s14], [sflag:$0x6], $0x4000, $0x38;
	[tilespmem:$0x1A400] =	vst v63  }
0x4e: {  	_ =	swait.ge [sflag:s23], $0x4000  }
0x4f: {  	s20 =	sshra.s32 s20, $0x2;
	[sflag:s23] =	ssyncset.done $0x0  }
0x50: {  	s4 =	sadd.s32 $0x280, s20;
	[sflag:s23] =	ssyncadd.s32 $0xFFFFC000  }
0x51: {  	[tilespmem:s14], [sflag:$0x1] =	stream.indirect.gather [hbm4b:s3+s13], $0x80, s4, s13, $0xb8;
	[tilespmem:$0x1A400] =	vst v63  }
0x52: {  	_ =	swait.ge [sflag:s24], $0x4000  }
0x53: {  	[sflag:s24] =	ssyncset.done $0x0  }
0x54: {  	s4 =	sadd.s32 $0xFFFFE800, s18;
	[sflag:s24] =	ssyncadd.s32 $0xFFFFC000  }
0x55: {  	[hbm4b:s4+s2] =	stream.linear.scatter [tilespmem:s15], [sflag:$0x7], $0x4000, $0x38;
	[tilespmem:$0x1A400] =	vst v63  }
0x56: {  	_ =	swait.ge [sflag:s25], $0x4000  }
0x57: {  	[sflag:s25] =	ssyncset.done $0x0  }
0x58: {  	s4 =	sadd.s32 $0x300, s20;
	[sflag:s25] =	ssyncadd.s32 $0xFFFFC000  }
0x59: {  	[tilespmem:s15], [sflag:$0x2] =	stream.indirect.gather [hbm4b:s3+s13], $0x80, s4, s13, $0xb8;
	[tilespmem:$0x1A400] =	vst v63  }
0x5a: {  	_ =	swait.ge [sflag:s26], $0x4000  }
0x5b: {  	[sflag:s26] =	ssyncset.done $0x0  }
0x5c: {  	s4 =	sadd.s32 $0xFFFFF000, s18;
	[sflag:s26] =	ssyncadd.s32 $0xFFFFC000  }
0x5d: {  	[hbm4b:s4+s2] =	stream.linear.scatter [tilespmem:s17], [sflag:$0x8], $0x4000, $0x38;
	[tilespmem:$0x1A400] =	vst v63  }
0x5e: {  	_ =	swait.ge [sflag:s28], $0x4000  }
0x5f: {  	[sflag:s28] =	ssyncset.done $0x0  }
0x60: {  	s4 =	sadd.s32 $0x380, s20;
	[sflag:s28] =	ssyncadd.s32 $0xFFFFC000  }
0x61: {  	[tilespmem:s17], [sflag:$0x3] =	stream.indirect.gather [hbm4b:s3+s13], $0x80, s4, s13, $0xb8;
	[tilespmem:$0x1A400] =	vst v63  }
0x62: {  	_ =	swait.ge [sflag:s29], $0x4000  }
0x63: {  	[sflag:s29] =	ssyncset.done $0x0  }
0x64: {  	s4 =	sadd.s32 $0xFFFFF800, s18;
	[sflag:s29] =	ssyncadd.s32 $0xFFFFC000  }
0x65: {  	[hbm4b:s4+s2] =	stream.linear.scatter [tilespmem:s19], [sflag:$0x9], $0x4000, $0x38;
	[tilespmem:$0x1A400] =	vst v63  }
0x66: {  	_ =	swait.ge [sflag:s30], $0x4000  }
0x67: {  	[sflag:s30] =	ssyncset.done $0x0  }
0x68: {  	s4 =	sadd.s32 $0x400, s20;
	[sflag:s30] =	ssyncadd.s32 $0xFFFFC000  }
0x69: {  	[tilespmem:s19], [sflag:$0x4] =	stream.indirect.gather [hbm4b:s3+s13], $0x80, s4, s13, $0xb8;
	[tilespmem:$0x1A400] =	vst v63  }
0x6a: {  	_ =	swait.ge [sflag:s31], $0x4000  }
0x6b: {  	[sflag:s31] =	ssyncset.done $0x0  }
.Ltmp0:
0x6c: {  	[sflag:s31] =	ssyncadd.s32 $0xFFFFC000;
	(pc) =	sbr.rel @p0 .LBB2_2-.Ltmp0, $4  }
0x6d: {  	[hbm4b:s18+s2] =	stream.linear.scatter [tilespmem:s21], [sflag:$0xA], $0x4000, $0x38;
	[tilespmem:$0x1A400] =	vst v63  }
0x6e: {  	_ =	swait.ge [sflag:s1], $0x4000  }
0x6f: {  	[sflag:s1] =	ssyncset.done $0x0  }
0x70: {  	s20 =	sadd.s32 $0x480, s20;
	s18 =	sadd.s32 $0x2800, s18;
	[sflag:s1] =	ssyncadd.s32 $0xFFFFC000  }
0x71: {  	[tilespmem:s21], [sflag:$0x5] =	stream.indirect.gather [hbm4b:s3+s13], $0x80, s20, s13, $0xb8;
	[tilespmem:$0x1A400] =	vst v63  }
0x72: {  	_ =	swait.ge [sflag:s22], $0x4000  }
0x73: {  	[sflag:s22] =	ssyncset.done $0x0  }
0x74: {  	[sflag:s22] =	ssyncadd.s32 $0xFFFFC000  }
0x75: {  	[hbm4b:s5+s2] =	stream.linear.scatter [tilespmem:s14], [sflag:$0xB], $0x4000, $0x38;
	[tilespmem:$0x1A400] =	vst v63  }
0x76: {  	_ =	swait.ge [sflag:s12], $0x4000  }
0x77: {  	[sflag:s12] =	ssyncset.done $0x0  }
0x78: {  	[sflag:s12] =	ssyncadd.s32 $0xFFFFC000  }
0x79: {  	_ =	swait.ge [sflag:s24], $0x4000  }
0x7a: {  	[sflag:s24] =	ssyncset.done $0x0  }
0x7b: {  	[sflag:s24] =	ssyncadd.s32 $0xFFFFC000  }
0x7c: {  	[hbm4b:s6+s2] =	stream.linear.scatter [tilespmem:s15], [sflag:$0xB], $0x4000, $0x38;
	[tilespmem:$0x1A400] =	vst v63  }
0x7d: {  	_ =	swait.ge [sflag:s12], $0x4000  }
0x7e: {  	[sflag:s12] =	ssyncset.done $0x0  }
0x7f: {  	[sflag:s12] =	ssyncadd.s32 $0xFFFFC000  }
0x80: {  	_ =	swait.ge [sflag:s26], $0x4000  }
0x81: {  	[sflag:s26] =	ssyncset.done $0x0  }
0x82: {  	[sflag:s26] =	ssyncadd.s32 $0xFFFFC000  }
0x83: {  	[hbm4b:s7+s2] =	stream.linear.scatter [tilespmem:s17], [sflag:$0xB], $0x4000, $0x38;
	[tilespmem:$0x1A400] =	vst v63  }
0x84: {  	_ =	swait.ge [sflag:s12], $0x4000  }
0x85: {  	[sflag:s12] =	ssyncset.done $0x0  }
0x86: {  	[sflag:s12] =	ssyncadd.s32 $0xFFFFC000  }
0x87: {  	_ =	swait.ge [sflag:s29], $0x4000  }
0x88: {  	[sflag:s29] =	ssyncset.done $0x0  }
0x89: {  	[sflag:s29] =	ssyncadd.s32 $0xFFFFC000  }
0x8a: {  	[hbm4b:s8+s2] =	stream.linear.scatter [tilespmem:s19], [sflag:$0xB], $0x4000, $0x38;
	[tilespmem:$0x1A400] =	vst v63  }
0x8b: {  	_ =	swait.ge [sflag:s12], $0x4000  }
0x8c: {  	[sflag:s12] =	ssyncset.done $0x0  }
0x8d: {  	[sflag:s12] =	ssyncadd.s32 $0xFFFFC000  }
0x8e: {  	s0 =	sadd.s32 $0x1, s0;
	_ =	swait.ge [sflag:s31], $0x4000  }
0x8f: {  	p0 =	sne.s32 s0, s10;
	[sflag:s31] =	ssyncset.done $0x0  }
.Ltmp1:
0x90: {  	[sflag:s31] =	ssyncadd.s32 $0xFFFFC000;
	(pc) =	sbr.rel @p0 .LBB2_1-.Ltmp1, $4  }
0x91: {  	[hbm4b:s9+s2] =	stream.linear.scatter [tilespmem:s21], [sflag:$0xB], $0x4000, $0x38;
	[tilespmem:$0x1A400] =	vst v63  }
0x92: {  	_ =	swait.ge [sflag:s12], $0x4000  }
0x93: {  	[sflag:s12] =	ssyncset.done $0x0  }
0x94: {  	[sflag:s12] =	ssyncadd.s32 $0xFFFFC000  }
0x95: {  	_ =	sfence.sel $0x180000  }
0x96: {  	[bflag:$0x0] =	sbarrier.arrive $0xFFFF  }
0x97: {  	_ =	strace $0x90000047  }
0x98: {  	s0 =	stileid.u32;
	[bflag:$0x2] =	sbarrier.arrive $0xFFFF  }
0x99: {  	p0 =	sne.s32 s0, $0x0;
	s0 =	rddreg [dreg:$0x2]  }
0x9a: {  	s0 =	sadd.s32 @!p0 $0x100000, s0  }
0x9b: {  	[sflag:s0] =	ssyncadd.tile.s32 @!p0 $0x1;
	_ =	shalt  }
.Lfunc_end2:
_tile_overlayer_lowered:
.L_overlay_start_2:
0x9c: {  	(tag) =	ssettag $0x2  }
0x9d: {  	s0 =	rddreg [dreg:$0x0];
	s2 =	stileid.u32  }
0x9e: {  	s1 =	rddreg [dreg:$0x1];
	p0 =	sne.s32 s2, $0x0  }
0x9f: {  	s3 =	rddreg [dreg:$0x2];
	[bflag:$0x3] =	sbarrier.arrive $0xFFFF;
	s2 =	simm.s32 @!p0 $0x1C0B  }
0xa0: {  	[timem:s3], [sflag:s2] =	dma.local @!p0 [hbm:s0], s1  }
0xa1: {  	s0 =	simm.s32 @!p0 $0xB  }
0xa2: {  	_ =	swait.ge @!p0 [sflag:s0], s1  }
0xa3: {  	s1 =	ssub.s32 @!p0 $0x0, s1;
	[sflag:s0] =	ssyncset.done @!p0 $0x0  }
0xa4: {  	[sflag:s0] =	ssyncadd.s32 @!p0 s1  }
0xa5: {  	[bflag:$0x3] =	sbarrier.arrive $0xFFFF  }
0xa6: {  	_ =	shalt  }

// kernel: sparse-core-data-format-call.cloned.1.call-start
scs
called_computation_lowered:
.L_overlay_start_0:
0x0: {  	s2 =	sld [smem:$0x3FD9]  }
0x1: {  	s3 =	sld [smem:$0x3FFE];
	_ =	sdelay $0x1  }
0x2: {  	s1 =	srdreg.scid  }
0x3: {  	s0 =	sand.u32 $0x1, s1  }
0x4: {  	s18 =	sshll.u32 s0, $0xA;
	s2 =	sadd.s32 s3, s2  }
0x5: {  	s2 =	sadd.s32 s2, s18  }
0x6: {  	[smem:$0x3FC6] =	sst s2  }
0x7: {  	_ = 	snop  }
0x8: {  	s2 =	sld [smem:$0x3FD0];
	(tm) =	ssettm $0x1  }
0x9: {  	s19 =	sld [smem:$0x3FFB];
	_ =	sdelay $0x3  }
0xa: {  	_ =	strace s19  }
0xb: {  	s3 =	sld [smem:$0x3FFC];
	_ =	sdelay $0x3  }
0xc: {  	_ =	strace s3  }
0xd: {  	s3 =	sld [smem:$0x3FFD];
	_ =	sdelay $0x3  }
0xe: {  	_ =	strace s3  }
0xf: {  	_ =	strace $0x8FFFFFFF  }
0x10: {  	s20 =	sld [smem:$0x3FDB];
	_ =	sdelay $0x1  }
0x11: {  	s4 =	simm.s32 $_scs_section_size  }
0x12: {  	s5 =	simm.s32 $_size__tile_overlayer_lowered;
	s6 =	simm.s32 $_tile_overlayer_lowered  }
0x13: {  	s23 =	simm.s32 $0x1BFF;
	s22 =	sshll.u32 s6, $0x1;
	s3 =	sadd.s32 s4, s20  }
0x14: {  	s7 =	simm.s32 $0x0;
	s21 =	sshll.u32 s5, $0x1;
	s5 =	sadd.s32 s22, s3  }
0x15: {  	[timem:s7], [sflag:s23] =	dma.local [hbm:s5], s21  }
0x16: {  	_ =	swait.ge [sflag:s23], s21  }
0x17: {  	s4 =	ssub.s32 $0x0, s21;
	[sflag:s23] =	ssyncset.done $0x0  }
0x18: {  	[sflag:s23] =	ssyncadd.s32 s4;
	_ =	sdelay $0x1  }
0x19: {  	s24 =	simm.s32 $0x1B8B  }
0x1a: {  	_ =	swait.ge [sflag:s24], $0x1  }
0x1b: {  	[sflag:s24] =	ssyncset.done $0x0  }
0x1c: {  	s26 =	simm.s32 $0x1B8E;
	s25 =	sld [smem:$0x3FFE];
	[sflag:s24] =	ssyncadd.s32 $0xFFFFFFFF  }
0x1d: {  	s27 =	simm.s32 $execute0_lowered;
	[smem:$0x3FD2] =	sst s26  }
0x1e: {  	s5 =	sshll.u32 s27, $0x1;
	_ =	strace $0x80000049;
	[dreg:$0x1] =	wrdreg $0xFFFFFFFF  }
0x1f: {  	s28 =	simm.s32 $_size_execute0_lowered;
	s3 =	sadd.s32 s3, s5;
	[dreg:$0x0] =	wrdreg $0x0  }
0x20: {  	s5 =	sshll.u32 s28, $0x1;
	[dreg:$0x2] =	wrdreg s3  }
0x21: {  	[dreg:$0x3] =	wrdreg s5  }
0x22: {  	[dreg:$0x4] =	wrdreg $0xC0  }
0x23: {  	_ =	task [dreg:s7], $0x5FFFF  }
0x24: {  	[dreg:$0x1] =	wrdreg $0xFFFFFFFF  }
0x25: {  	[dreg:$0x0] =	wrdreg $0x60  }
0x26: {  	[dreg:$0x2] =	wrdreg s25  }
0x27: {  	[dreg:$0x3] =	wrdreg s2  }
0x28: {  	[dreg:$0x4] =	wrdreg $0x9  }
0x29: {  	_ =	task.clear_ibuf [dreg:s7], $0x5FFFF;
	_ =	strace $0x90000049  }
0x2a: {  	s29 =	simm.s32 $0x9;
	_ =	strace $0x8000004B  }
0x2b: {  	_ =	swait.ge [sflag:s29], $0x1  }
0x2c: {  	[sflag:s29] =	ssyncadd.s32 $0xFFFFFFFF  }
0x2d: {  	_ =	strace $0x9000004B  }
0x2e: {  	_ =	sfence  }
0x2f: {  	s30 =	sld [smem:$0x0];
	_ =	sdelay $0x2  }
0x30: {  	s31 =	sshll.u32 s1, $0xD;
	s1 =	sshrl.u32 s1, $0x2  }
0x31: {  	s3 =	sand.u32 $0x4000, s31;
	s1 =	sadd.s32 s1, s30  }
0x32: {  	s0 =	sor.u32 s3, s0;
	s1 =	sshll.u32 s1, $0x11  }
0x33: {  	s0 =	sor.u32 s1, s0  }
0x34: {  	s0 =	sadd.s32 $0x8F2B, s0  }
0x35: {  	[sflag:s0] =	ssyncadd.remote.s32 $0x1  }
0x36: {  	_ =	sfence.sel $0xFFFF  }
0x37: {  	[dreg:$0x0] =	wrdreg $0xFFFFFFFF;
	(pc) =	sbr.abs _section_cstart, $3  }
0x38: {  	[dreg:$0x1] =	wrdreg $0xFFFFFFFF  }
0x39: {  	_ =	task.clear_ibuf [dreg:s7], $0x2FFFF;
	_ =	strace $0x9FFFFFFF  }
0x3a: {  	(tm) =	ssettm $0x7FFFFFFF  }
0x3b: {  	_ =	shalt  }
tec
execute0_lowered:
.L_overlay_start_1:
0x0: {  	(tag) =	ssettag $0x1  }
0x1: {  	s0 =	srdreg.scid  }
0x2: {  	s1 =	sshll.u32 s0, $0x4  }
0x3: {  	s4 =	rddreg [dreg:$0x0];
	s0 =	stileid.u32;
	s1 =	sand.u32 $0x10, s1  }
0x4: {  	s2 =	rddreg [dreg:$0x1];
	s7 =	simm.s32 $0x1;
	s1 =	sor.u32 s0, s1  }
0x5: {  	s8 =	simm.s32 $0x2;
	s11 =	simm.s32 $0x0;
	s3 =	sshll.u32 s1, $0x7  }
0x6: {  	s10 =	simm.s32 $0x0;
	s4 =	sadd.s32 $0xA00, s4;
	s6 =	ssub.s32 $0xC8000, s3  }
.Ltmp0:
0x7: {  	s1 =	rddreg [dreg:$0x2];
	s5 =	sand.u32 $0xF80, s6;
	(pc) =	sbr.rel .LBB1_1-.Ltmp0, $4  }
0x8: {  	_ =	strace $0x8000004A;
	s9 =	smov.u32 s3;
	p0 =	sne.s32 s5, $0x0  }
0x9: {  	s6 =	sshrl.u32 s6, $0xC;
	s5 =	simm.s32 $0x1;
	s7 =	simm.s32 @!p0 $0x0  }
0xa: {  	[sflag:s5] =	ssyncpa.u1 $0x0;
	p0 =	por $0x0, $0x0;
	s6 =	sadd.s32 s7, s6  }
0xb: {  	[sflag:s8] =	ssyncpa.u1 $0x0;
	s8 =	simm.s32 $0x640000;
	s7 =	sadd.s32 $0x1, s6  }
.LBB1_4:
0xc: {  	s14 =	sshll.u32 s11, $0x3  }
0xd: {  	s30 =	sand.u32 $0x7F, s11;
	s15 =	sand.u32 $0xFFFFFC00, s14  }
0xe: {  	s11 =	sor.u32 s30, s15  }
0xf: {  	s15 =	smulhi.u32 $0x51EB851F, s11  }
0x10: {  	s14 =	smulhi.u32 $0x51EB851F, s14  }
0x11: {  	s15 =	sshrl.u32 s15, $0x12  }
0x12: {  	s14 =	sshrl.u32 s14, $0x12;
	s15 =	smul.u32 $0xC8000, s15  }
0x13: {  	s14 =	sand.u32 $0x3F, s14  }
0x14: {  	s14 =	smul.u32 $0x19000, s14;
	s11 =	ssub.s32 s11, s15  }
0x15: {  	[tilespmem:s13+$0x810 ss:$0x81] =	vst.msk $0xffff, v2;
	s15 =	sand.u32 $0x7, s11  }
0x16: {  	[tilespmem:s13+$0x1020 ss:$0x81] =	vst.msk $0xffff, v0;
	s14 =	sadd.s32 s2, s14;
	s11 =	sshrl.u32 s11, $0x3;
	s15 =	sshll.u32 s15, $0x12  }
0x17: {  	[tilespmem:s13+$0x0 ss:$0x81] =	vst.msk $0xffff, v1;
	s11 =	sadd.s32 s11, s14;
	s31 =	sor.u32 $0x400, s15  }
0x18: {  	[hbm4b:s11+s31] =	stream.strided.scatter [tilespmem:s12], [sflag:$0x2], $0x2000, s8, s31, $0x20;
	[tilespmem:$0x8080] =	vst v63  }
.LBB1_5:
0x19: {  	s13 =	sadd.s32 $0x1000, s9  }
0x1a: {  	p2 =	sgt.s32 s13, $0xC7FFF  }
0x1b: {  	s13 =	smov.u32 @p2 s3;
	p2 =	sne.s32 s10, s7  }
.Ltmp1:
0x1c: {  	p1 =	slt.u32 s10, $0x2;
	(pc) =	sbr.rel @!p2 .LBB1_6-.Ltmp1, $4  }
0x1d: {  	s12 =	simm.s32 @!p1 $0x2  }
0x1e: {  	s14 =	sadd.s32 $0x1, s10;
	_ =	swait.ge @!p1 [sflag:s12], $0x2000  }
0x1f: {  	s11 =	smov.u32 s9;
	p0 =	por !p0, !p0;
	[sflag:s12] =	ssyncset.done @!p1 $0x0  }
0x20: {  	s10 =	smov.u32 s14;
	s9 =	smov.u32 s13;
	[sflag:s12] =	ssyncadd.s32 @!p1 $0xFFFFE000  }
.LBB1_1:
0x21: {  	p1 =	sge.u32 s10, s6  }
0x22: {  	s12 =	sand.u32 @!p1 $0x1FFFFFF, s9  }
0x23: {  	s13 =	smulhi.u32 @!p1 $0x147AE15, s12;
	_ =	sdelay $0x1  }
0x24: {  	s13 =	sshrl.u32 @!p1 s13, $0xC  }
0x25: {  	s13 =	smul.u32 @!p1 $0xC8000, s13;
	_ =	sdelay $0x1  }
0x26: {  	s31 =	sadd.s32 $0xFFFFFFFF, s10;
	s14 =	sxor.u32 @!p1 $0xFFFFFFFF, s10;
	s12 =	ssub.s32 @!p1 s12, s13  }
0x27: {  	s15 =	simm.s32 @!p1 $0x80;
	s14 =	sshll.u32 @!p1 s14, $0xD;
	s12 =	sshll.u32 @!p1 s12, $0x4  }
0x28: {  	s13 =	sand.u32 @!p1 $0x2000, s14;
	s14 =	simm.s32 @!p1 $0x40;
	s12 =	sadd.s32 @!p1 s4, s12  }
0x29: {  	[tilespmem:s13], [sflag:$0x1] =	stream.strided.gather @!p1 [hbm4b:s12+s14], $0x2000, s15, s14, $0x38;
	[tilespmem:$0x8080] =	vst v63  }
0x2a: {  	p1 =	sge.u32 s31, s6  }
.Ltmp2:
0x2b: {  	_ = 	snop;
	(pc) =	sbr.rel @p1 .LBB1_5-.Ltmp2, $1  }
0x2c: {  	_ =	sdelay $0x3  }
0x2d: {  	s12 =	simm.s32 $0x1  }
0x2e: {  	_ =	swait.ge [sflag:s5], $0x2000;
	s12 =	simm.s32 @!p0 $0x0  }
0x2f: {  	[sflag:s5] =	ssyncset.done $0x0;
	s13 =	sshll.u32 s12, $0xD  }
0x30: {  	[sflag:s5] =	ssyncadd.s32 $0xFFFFE000;
	s16 =	sor.u32 $0x20, s13  }
0x31: {  	s12 =	smul.u32 $0x8100, s12;
	v3 =	vld [tilespmem:s16+$0x10]  }
0x32: {  	s30 =	sand.u32 $0x1, s10;
	v2 =	vld [tilespmem:s16+$0xFFFFFFF0]  }
0x33: {  	s13 =	smul.u32 $0x8100, s30;
	s12 =	sshrl.u32 s12, $0x2;
	v0 =	vld [tilespmem:s16+$0x0]  }
0x34: {  	v1 =	vld [tilespmem:s16+$0xFFFFFFE0];
	s14 =	sor.u32 $0x4000, s12  }
0x35: {  	s31 =	sshrl.u32 s13, $0x2;
	s13 =	sadd.s32 $0x0, s14  }
0x36: {  	s15 =	simm.s32 $0x4;
	s16 =	sadd.s32 $0x40, s16;
	s12 =	sor.u32 $0x4000, s31;
	[tilespmem:s13+$0x1830 ss:$0x81] =	vst.msk $0xffff, v3  }
.LBB1_3:
0x37: {  	v3 =	vld [tilespmem:s16+$0x10];
	p1 =	sne.s32 s15, $0x1FC;
	[tilespmem:s13+$0x810 ss:$0x81] =	vst.msk $0xffff, v2;
	s17 =	smov.u32 s15;
	s15 =	sadd.s32 $0x4, s15  }
.Ltmp3:
0x38: {  	v2 =	vld [tilespmem:s16+$0xFFFFFFF0];
	[tilespmem:s13+$0x1020 ss:$0x81] =	vst.msk $0xffff, v0;
	(pc) =	sbr.rel @p1 .LBB1_3-.Ltmp3, $4  }
0x39: {  	v0 =	vld [tilespmem:s16+$0x0];
	[tilespmem:s13+$0x0 ss:$0x81] =	vst.msk $0xffff, v1  }
0x3a: {  	s13 =	sshra.s32 s17, $0x2;
	v1 =	vld [tilespmem:s16+$0xFFFFFFE0]  }
0x3b: {  	s13 =	sadd.s32 s13, s14  }
0x3c: {  	s16 =	sadd.s32 $0x40, s16;
	[tilespmem:s13+$0x1830 ss:$0x81] =	vst.msk $0xffff, v3  }
.Ltmp4:
0x3d: {  	_ = 	snop;
	(pc) =	sbr.rel .LBB1_4-.Ltmp4, $1  }
0x3e: {  	_ =	sdelay $0x3  }
.LBB1_6:
0x3f: {  	_ =	sfence.sel $0x180000  }
0x40: {  	s2 =	simm.s32 $0x1;
	[bflag:$0x0] =	sbarrier.arrive $0xFFFF  }
0x41: {  	s31 =	simm.s32 $0x2;
	[sflag:s2] =	ssyncpa.u1 $0x1  }
0x42: {  	[sflag:s31] =	ssyncpa.u1 $0x1  }
0x43: {  	p0 =	sne.s32 s0, $0x0;
	_ =	strace $0x9000004A  }
0x44: {  	s0 =	sadd.s32 @!p0 $0x100000, s1;
	[bflag:$0x2] =	sbarrier.arrive $0xFFFF  }
0x45: {  	[sflag:s0] =	ssyncadd.tile.s32 @!p0 $0x1;
	_ =	shalt  }
.Lfunc_end1:
_tile_overlayer_lowered:
.L_overlay_start_2:
0x46: {  	(tag) =	ssettag $0x2  }
0x47: {  	s0 =	rddreg [dreg:$0x0];
	s2 =	stileid.u32  }
0x48: {  	s1 =	rddreg [dreg:$0x1];
	p0 =	sne.s32 s2, $0x0  }
0x49: {  	s3 =	rddreg [dreg:$0x2];
	[bflag:$0x3] =	sbarrier.arrive $0xFFFF;
	s2 =	simm.s32 @!p0 $0x1C01  }
0x4a: {  	[timem:s3], [sflag:s2] =	dma.local @!p0 [hbm:s0], s1  }
0x4b: {  	s0 =	simm.s32 @!p0 $0x1  }
0x4c: {  	_ =	swait.ge @!p0 [sflag:s0], s1  }
0x4d: {  	s1 =	ssub.s32 @!p0 $0x0, s1;
	[sflag:s0] =	ssyncset.done @!p0 $0x0  }
0x4e: {  	[sflag:s0] =	ssyncadd.s32 @!p0 s1  }
0x4f: {  	[bflag:$0x3] =	sbarrier.arrive $0xFFFF  }
0x50: {  	_ =	shalt  }

</sc_bundles>
